<compile_context>
chip_gen: v7x
topology: tpu7x:2x2x1
jax: 0.10.2.dev20260603
libtpu: 0.0.44.dev20260713+nightly
codegen_flags: <defaults>
</compile_context>

<pallas_src>
import functools

import jax
import jax.numpy as jnp
from jax import lax
from jax.experimental import pallas as pl
from jax.experimental.pallas import tpu as pltpu
from jax.experimental.pallas import tpu_sc as plsc

N0, N1, N2 = 40960, 10240, 1024
D_IN, D_HID, D_OUT = 256, 32, 256
E1, E2 = 163840, 16384
NC, NS = 2, 16
NW = NC * NS
DA = 128
ONES_HI = D_HID + 16
CHUNK = 128


def _sc_mesh():
    return plsc.VectorSubcoreMesh(core_axis_name="c", subcore_axis_name="s")


def _gather_rows(table, idx3d, n_rows, d):
    per_w = n_rows // NW
    n_sub = per_w // 64

    assert n_sub % 2 == 1

    @functools.partial(
        pl.kernel,
        mesh=_sc_mesh(),
        out_type=jax.ShapeDtypeStruct((n_rows, d), jnp.float32),
        scratch_types=[
            pltpu.VMEM((n_sub, 64), jnp.int32),
            pltpu.VMEM((64, d), jnp.float32),
            pltpu.VMEM((64, d), jnp.float32),
            pltpu.SemaphoreType.DMA,
            pltpu.SemaphoreType.DMA,
        ],
    )
    def k(table_hbm, idx_hbm, out_hbm, idx_v, rows0, rows1, sem0, sem1):
        cid = lax.axis_index("c")
        sid = lax.axis_index("s")
        wid = sid * NC + cid
        base = wid * per_w
        pltpu.sync_copy(idx_hbm.at[wid], idx_v)
        last = n_sub - 1
        pltpu.async_copy(table_hbm.at[idx_v.at[0]], rows0, sem0)

        def body(jj, _):
            j1 = jj * 2 + 1
            j0n = jnp.minimum(j1 + 1, last)
            pltpu.async_copy(table_hbm.at[idx_v.at[j1]], rows1, sem1)
            pltpu.make_async_copy(
                table_hbm.at[idx_v.at[j1 - 1]], rows0, sem0).wait()
            pltpu.sync_copy(rows0, out_hbm.at[pl.ds(base + (j1 - 1) * 64, 64)])
            pltpu.async_copy(table_hbm.at[idx_v.at[j0n]], rows0, sem0)
            pltpu.make_async_copy(
                table_hbm.at[idx_v.at[j1]], rows1, sem1).wait()
            pltpu.sync_copy(rows1, out_hbm.at[pl.ds(base + j1 * 64, 64)])
            return 0

        lax.fori_loop(0, n_sub // 2, body, 0)
        pltpu.make_async_copy(table_hbm.at[idx_v.at[last]], rows0, sem0).wait()
        pltpu.sync_copy(rows0, out_hbm.at[pl.ds(base + last * 64, 64)])

    return k(table, idx3d)


def _seg_accum(zaug, src3d, dst3d, redirect):
    n_acc = (N2 + 64) if redirect else N2
    ch_per_w = src3d.shape[1]
    zrows = N2 // NS
    assert ch_per_w % 4 == 0
    NBUF = 4

    @functools.partial(
        pl.kernel,
        mesh=_sc_mesh(),
        out_type=jax.ShapeDtypeStruct((NC, N2, DA), jnp.float32),
        scratch_types=[
            pltpu.VMEM((ch_per_w, CHUNK), jnp.int32),
            pltpu.VMEM((ch_per_w, CHUNK), jnp.int32),
        ] + [pltpu.VMEM((CHUNK, DA), jnp.float32)] * NBUF + [
            pltpu.VMEM((zrows, DA), jnp.float32),
            pltpu.VMEM_SHARED((n_acc, DA), jnp.float32),
        ] + [pltpu.SemaphoreType.DMA] * NBUF,
    )
    def k(z_hbm, src_hbm, dst_hbm, out_hbm, src_v, dst_v,
          rows0, rows1, rows2, rows3, zero_v, acc_s, sem0, sem1, sem2, sem3):
        rows = (rows0, rows1, rows2, rows3)
        sems = (sem0, sem1, sem2, sem3)
        cid = lax.axis_index("c")
        sid = lax.axis_index("s")
        wid = sid * NC + cid

        def zrow(r, _):
            for cc in range(DA // 16):
                zero_v[r, pl.ds(cc * 16, 16)] = jnp.zeros((16,), jnp.float32)
            return 0

        lax.fori_loop(0, zrows, zrow, 0)
        pltpu.sync_copy(zero_v, acc_s.at[pl.ds(sid * zrows, zrows)])

        pltpu.sync_copy(src_hbm.at[wid], src_v)
        pltpu.sync_copy(dst_hbm.at[wid], dst_v)
        plsc.subcore_barrier()

        last = ch_per_w - 1
        for b in range(NBUF - 1):
            pltpu.async_copy(z_hbm.at[src_v.at[b]], rows[b], sems[b])

        def body(jj, _):
            for b in range(NBUF):
                j = jj * NBUF + b
                jn = j + NBUF - 1
                bn = (b + NBUF - 1) % NBUF

                @pl.when(jn <= last)
                def _():
                    pltpu.async_copy(z_hbm.at[src_v.at[jn]], rows[bn], sems[bn])

                pltpu.make_async_copy(
                    z_hbm.at[src_v.at[j]], rows[b], sems[b]).wait()
                pltpu.sync_copy(rows[b], acc_s.at[dst_v.at[j]], add=True)
            return 0

        lax.fori_loop(0, ch_per_w // NBUF, body, 0)
        plsc.subcore_barrier()
        pltpu.sync_copy(acc_s.at[pl.ds(sid * zrows, zrows)],
                        out_hbm.at[cid, pl.ds(sid * zrows, zrows)])

    return k(zaug, src3d, dst3d)


def _tc_layer1(h, wl1p, wr1p, b1p, dst2d):
    nblk = 8
    rows = N1 // nblk

    def body(h_ref, wl_ref, wr_ref, b_ref, d_ref, z_ref, hr_ref, dr_ref):
        i = pl.program_id(0)
        hb = h_ref[...]
        z = jnp.dot(hb, wl_ref[...], preferred_element_type=jnp.float32)
        col = lax.broadcasted_iota(jnp.int32, (rows, DA), 1)
        z_ref[...] = jnp.where((col >= D_HID) & (col < ONES_HI), 1.0, z)
        d = d_ref[...]
        dr_ref[...] = jnp.where(d < N2, d, N2 + (d & 63))

        @pl.when(i == 0)
        def _():
            hr_ref[...] = (
                jnp.dot(hb[:N2], wr_ref[...], preferred_element_type=jnp.float32)
                + b_ref[...])

    return pl.pallas_call(
        body,
        grid=(nblk,),
        in_specs=[
            pl.BlockSpec((rows, D_IN), lambda i: (i, 0)),
            pl.BlockSpec((D_IN, DA), lambda i: (0, 0)),
            pl.BlockSpec((D_IN, DA), lambda i: (0, 0)),
            pl.BlockSpec((1, DA), lambda i: (0, 0)),
            pl.BlockSpec((E1 // nblk // CHUNK, CHUNK), lambda i: (i, 0)),
        ],
        out_specs=[
            pl.BlockSpec((rows, DA), lambda i: (i, 0)),
            pl.BlockSpec((N2, DA), lambda i: (0, 0)),
            pl.BlockSpec((E1 // nblk // CHUNK, CHUNK), lambda i: (i, 0)),
        ],
        out_shape=[
            jax.ShapeDtypeStruct((N1, DA), jnp.float32),
            jax.ShapeDtypeStruct((N2, DA), jnp.float32),
            jax.ShapeDtypeStruct((E1 // CHUNK, CHUNK), jnp.int32),
        ],
    )(h, wl1p, wr1p, b1p, dst2d)


def _tc_relu_mean(parts, hr):

    def body(p_ref, hr_ref, out_ref):
        s = p_ref[0] + p_ref[1]
        deg = s[:, D_HID:D_HID + 1]
        meanf = s / jnp.maximum(deg, 1.0)
        pre = jnp.maximum(meanf + hr_ref[...], 0.0)
        col = lax.broadcasted_iota(jnp.int32, (N2, DA), 1)
        out_ref[...] = jnp.where((col >= D_HID) & (col < ONES_HI), 1.0, pre)

    return pl.pallas_call(
        body,
        out_shape=jax.ShapeDtypeStruct((N2, DA), jnp.float32),
    )(parts, hr)


def _tc_out(parts2, h1aug, wl2p, wr2p, b2):

    def body(p_ref, h1_ref, wl_ref, wr_ref, b_ref, out_ref):
        s = p_ref[0] + p_ref[1]
        deg = s[:, D_HID:D_HID + 1]
        meanf = s / jnp.maximum(deg, 1.0)
        out_ref[...] = (
            jnp.dot(meanf, wl_ref[...], preferred_element_type=jnp.float32)
            + jnp.dot(h1_ref[...], wr_ref[...], preferred_element_type=jnp.float32)
            + b_ref[...])

    return pl.pallas_call(
        body,
        out_shape=jax.ShapeDtypeStruct((N2, D_OUT), jnp.float32),
    )(parts2, h1aug, wl2p, wr2p, b2)


def kernel(x, n_id, edge_index1, edge_index2, Wl1, Wr1, b1, Wl2, Wr2, b2):
    idx = n_id[:N1].astype(jnp.int32).reshape(NW, N1 // NW // 64, 64)
    src1 = edge_index1[0].astype(jnp.int32).reshape(NW, E1 // CHUNK // NW, CHUNK)
    dst1f = edge_index1[1].astype(jnp.int32).reshape(E1 // CHUNK, CHUNK)
    src2 = edge_index2[0].astype(jnp.int32).reshape(NW, E2 // CHUNK // NW, CHUNK)
    dst2 = edge_index2[1].astype(jnp.int32).reshape(NW, E2 // CHUNK // NW, CHUNK)

    h = _gather_rows(x, idx, N1, D_IN)
    wl1p = jnp.pad(Wl1, ((0, 0), (0, DA - D_HID)))
    wr1p = jnp.pad(Wr1, ((0, 0), (0, DA - D_HID)))
    b1p = jnp.pad(b1, (0, DA - D_HID)).reshape(1, DA)
    wl2p = jnp.pad(Wl2, ((0, DA - D_HID), (0, 0)))
    wr2p = jnp.pad(Wr2, ((0, DA - D_HID), (0, 0)))
    zaug, hr, dst1r = _tc_layer1(h, wl1p, wr1p, b1p, dst1f)
    dst1 = dst1r.reshape(NW, E1 // CHUNK // NW, CHUNK)
    parts1 = _seg_accum(zaug, src1, dst1, redirect=True)
    h1aug = _tc_relu_mean(parts1, hr)
    parts2 = _seg_accum(h1aug, src2, dst2, redirect=False)
    return _tc_out(parts2, h1aug, wl2p, wr2p, b2.reshape(1, D_OUT))

# --- scband reference (transcript-rebuilt; emitter-appended) ---
"""Pipeline reference for scband-net-56745107915279 (READ-ONLY COPY).

The authoritative reference and input builder live on the scoring server;
editing this copy changes nothing except your own understanding.
"""

import jax, jax.numpy as jnp
import numpy as np

N0, N1, N2 = 40960, 10240, 1024
D_IN, D_HID, D_OUT = 256, 32, 256


def setup_inputs(seed: int = 0) -> dict:
    key = jax.random.key(seed)
    ks = jax.random.split(key, 10)
    x = jax.random.normal(ks[0], (100000, D_IN), dtype=jnp.float32)
    n_id = jax.random.randint(ks[1], (N0,), 0, 100000, dtype=jnp.int64 if jax.config.jax_enable_x64 else jnp.int32)
    edge_index1 = jax.random.randint(ks[2], (2, 163840), 0, N1)
    edge_index2 = jax.random.randint(ks[3], (2, 16384), 0, N2)
    s1 = 1.0 / np.sqrt(D_IN)
    Wl1 = jax.random.uniform(ks[4], (D_IN, D_HID), minval=-s1, maxval=s1, dtype=jnp.float32)
    Wr1 = jax.random.uniform(ks[5], (D_IN, D_HID), minval=-s1, maxval=s1, dtype=jnp.float32)
    b1 = jnp.zeros((D_HID,), dtype=jnp.float32)
    s2 = 1.0 / np.sqrt(D_HID)
    Wl2 = jax.random.uniform(ks[6], (D_HID, D_OUT), minval=-s2, maxval=s2, dtype=jnp.float32)
    Wr2 = jax.random.uniform(ks[7], (D_HID, D_OUT), minval=-s2, maxval=s2, dtype=jnp.float32)
    b2 = jnp.zeros((D_OUT,), dtype=jnp.float32)
    return {"x": x, "n_id": n_id, "edge_index1": edge_index1, "edge_index2": edge_index2,
            "Wl1": Wl1, "Wr1": Wr1, "b1": b1, "Wl2": Wl2, "Wr2": Wr2, "b2": b2}


def _sage_conv(x_src, x_dst, edge_index, num_dst, Wl, Wr, b):
    # PyG SAGEConv (mean aggr): out = lin_l(mean_j x_src[j]) + lin_r(x_dst); lin_l has bias.
    src = edge_index[0]
    dst = edge_index[1]
    msgs = jnp.take(x_src, src, axis=0)
    agg = jax.ops.segment_sum(msgs, dst, num_segments=num_dst)
    deg = jax.ops.segment_sum(jnp.ones((edge_index.shape[1],), dtype=x_src.dtype), dst, num_segments=num_dst)
    agg = agg / jnp.maximum(deg, 1.0)[:, None]
    return agg @ Wl + b + x_dst @ Wr


def reference(x, n_id, edge_index1, edge_index2, Wl1, Wr1, b1, Wl2, Wr2, b2):
    h = jnp.take(x, n_id, axis=0)               # x[data.n_id]
    h1 = _sage_conv(h, h[:N1], edge_index1, N1, Wl1, Wr1, b1)
    h1 = jax.nn.relu(h1)
    # F.dropout(x, training=self.training) is identity in eval mode
    out = _sage_conv(h1, h1[:N2], edge_index2, N2, Wl2, Wr2, b2)
    return out

if __name__ == "__main__":
    import jax
    _d = setup_inputs()
    print(jax.jit(kernel)(*tuple(_d.values())))

</pallas_src>

<mosaic_0001>
#map = affine_map<(d0, d1) -> (0, 0)>
#map1 = affine_map<(d0, d1) -> (0, 0, 0)>
module attributes {stable_mosaic.version = 14 : i64} {
  func.func @k(%arg0: i32, %arg1: i32, %arg2: memref<100000x256xf32, #tpu.memory_space<hbm>>, %arg3: memref<32x5x64xi32, #tpu.memory_space<hbm>>, %arg4: memref<10240x256xf32, #tpu.memory_space<hbm>>, %arg5: memref<5x64xi32, #tpu.memory_space<vmem>>, %arg6: memref<64x256xf32, #tpu.memory_space<vmem>>, %arg7: memref<64x256xf32, #tpu.memory_space<vmem>>, %arg8: memref<!tpu.dma_semaphore, #tpu.memory_space<semaphore_mem>>, %arg9: memref<!tpu.dma_semaphore, #tpu.memory_space<semaphore_mem>>) attributes {dimension_semantics = [#tpu.dimension_semantics<core_parallel>, #tpu.dimension_semantics<subcore_parallel>], iteration_bounds = array<i64: 2, 16>, scalar_prefetch = 0 : i64, scratch_operands = 5 : i64, tpu.core_type = #tpu.core_type<sc_vector_subcore>, window_params = [{transform_indices = #map}, {transform_indices = #map1}, {transform_indices = #map}]} {
    %mul3A = arith.constant 2 : i32
    %mul3A_0 = arith.muli %arg1, %mul3A : i32
    %add3A = arith.addi %mul3A_0, %arg0 : i32
    %mul3A_1 = arith.constant 320 : i32
    %mul3A_2 = arith.muli %add3A, %mul3A_1 : i32
    "tpu.region"() ({
      %run_scoped3A = tpu.sem_alloc : memref<!tpu.dma_semaphore, #tpu.memory_space<semaphore_mem>>
      %dma_start3A_23 = arith.constant 0 : i32
      %dma_start3A_24 = arith.constant 0 : i32
      %dma_start3A_25 = tpu.memref_slice %arg3[%add3A, %dma_start3A_23, %dma_start3A_24] : memref<32x5x64xi32, #tpu.memory_space<hbm>> -> memref<1x5x64xi32, #tpu.memory_space<hbm>>
      %dma_start3A_26 = tpu.memref_squeeze %dma_start3A_25 : memref<1x5x64xi32, #tpu.memory_space<hbm>> -> memref<5x64xi32, #tpu.memory_space<hbm>>
      %dma_start3A_27 = arith.constant 0 : i32
      %dma_start3A_28 = arith.constant 0 : i32
      %dma_start3A_29 = tpu.memref_slice %arg3[%add3A, %dma_start3A_27, %dma_start3A_28] : memref<32x5x64xi32, #tpu.memory_space<hbm>> -> memref<1x5x64xi32, #tpu.memory_space<hbm>>
      %dma_start3A_30 = tpu.memref_squeeze %dma_start3A_29 : memref<1x5x64xi32, #tpu.memory_space<hbm>> -> memref<5x64xi32, #tpu.memory_space<hbm>>
      tpu.enqueue_dma source(%dma_start3A_30 : memref<5x64xi32, #tpu.memory_space<hbm>>) target(%arg5 : memref<5x64xi32, #tpu.memory_space<vmem>>) target_semaphore(%run_scoped3A : memref<!tpu.dma_semaphore, #tpu.memory_space<semaphore_mem>>)
      %dma_wait3A_31 = arith.constant 0 : i32
      %dma_wait3A_32 = arith.constant 0 : i32
      %dma_wait3A_33 = tpu.memref_slice %arg3[%add3A, %dma_wait3A_31, %dma_wait3A_32] : memref<32x5x64xi32, #tpu.memory_space<hbm>> -> memref<1x5x64xi32, #tpu.memory_space<hbm>>
      %dma_wait3A_34 = tpu.memref_squeeze %dma_wait3A_33 : memref<1x5x64xi32, #tpu.memory_space<hbm>> -> memref<5x64xi32, #tpu.memory_space<hbm>>
      %dma_wait3A_35 = arith.constant 0 : i32
      %dma_wait3A_36 = arith.constant 0 : i32
      %dma_wait3A_37 = tpu.memref_slice %arg3[%add3A, %dma_wait3A_35, %dma_wait3A_36] : memref<32x5x64xi32, #tpu.memory_space<hbm>> -> memref<1x5x64xi32, #tpu.memory_space<hbm>>
      %dma_wait3A_38 = tpu.memref_squeeze %dma_wait3A_37 : memref<1x5x64xi32, #tpu.memory_space<hbm>> -> memref<5x64xi32, #tpu.memory_space<hbm>>
      tpu.wait_dma2 semaphore(%run_scoped3A : memref<!tpu.dma_semaphore, #tpu.memory_space<semaphore_mem>>) src(%dma_wait3A_38 : memref<5x64xi32, #tpu.memory_space<hbm>>) dst(%arg5 : memref<5x64xi32, #tpu.memory_space<vmem>>)
      tpu.yield
    }) : () -> ()
    %dma_start3A = arith.constant 0 : i32
    %dma_start3A_3 = arith.constant 0 : i32
    %dma_start3A_4 = tpu.memref_slice %arg5[%dma_start3A, %dma_start3A_3] : memref<5x64xi32, #tpu.memory_space<vmem>> -> memref<1x64xi32, #tpu.memory_space<vmem>>
    %dma_start3A_5 = tpu.memref_squeeze %dma_start3A_4 : memref<1x64xi32, #tpu.memory_space<vmem>> -> memref<64xi32, #tpu.memory_space<vmem>>
    %dma_start3A_6 = arith.constant 0 : i32
    %dma_start3A_7 = arith.constant 0 : i32
    %dma_start3A_8 = tpu.memref_slice %arg2[%dma_start3A_6, %dma_start3A_7] : memref<100000x256xf32, #tpu.memory_space<hbm>> -> memref<100000x256xf32, #tpu.memory_space<hbm>>
    tpu.enqueue_indirect_dma source(%dma_start3A_8 : memref<100000x256xf32, #tpu.memory_space<hbm>>) target(%arg6 : memref<64x256xf32, #tpu.memory_space<vmem>>) offsets(%dma_start3A_5 : memref<64xi32, #tpu.memory_space<vmem>>) semaphore(%arg8 : memref<!tpu.dma_semaphore, #tpu.memory_space<semaphore_mem>>)
    %scan3A = arith.constant 0 : i32
    %scan3A_9 = arith.constant 0 : i32
    %scan3A_10 = arith.constant 2 : i32
    %scan3A_11 = arith.addi %scan3A_9, %scan3A_10 : i32
    %scan3A_12 = arith.constant 1 : i32
    %scan3A_13 = scf.for %scan3A_23 = %scan3A_9 to %scan3A_11 step %scan3A_12 iter_args(%scan3A_24 = %scan3A) -> (i32)  : i32 {
      %mul3A_25 = arith.constant 2 : i32
      %mul3A_26 = arith.muli %scan3A_23, %mul3A_25 : i32
      %add3A_27 = arith.constant 1 : i32
      %add3A_28 = arith.addi %mul3A_26, %add3A_27 : i32
      %add3A_29 = arith.constant 1 : i32
      %add3A_30 = arith.addi %add3A_28, %add3A_29 : i32
      %min3A = arith.constant 4 : i32
      %min3A_31 = arith.minsi %add3A_30, %min3A : i32
      %dma_start3A_32 = arith.constant 0 : i32
      %dma_start3A_33 = tpu.memref_slice %arg5[%add3A_28, %dma_start3A_32] : memref<5x64xi32, #tpu.memory_space<vmem>> -> memref<1x64xi32, #tpu.memory_space<vmem>>
      %dma_start3A_34 = tpu.memref_squeeze %dma_start3A_33 : memref<1x64xi32, #tpu.memory_space<vmem>> -> memref<64xi32, #tpu.memory_space<vmem>>
      %dma_start3A_35 = arith.constant 0 : i32
      %dma_start3A_36 = arith.constant 0 : i32
      %dma_start3A_37 = tpu.memref_slice %arg2[%dma_start3A_35, %dma_start3A_36] : memref<100000x256xf32, #tpu.memory_space<hbm>> -> memref<100000x256xf32, #tpu.memory_space<hbm>>
      tpu.enqueue_indirect_dma source(%dma_start3A_37 : memref<100000x256xf32, #tpu.memory_space<hbm>>) target(%arg7 : memref<64x256xf32, #tpu.memory_space<vmem>>) offsets(%dma_start3A_34 : memref<64xi32, #tpu.memory_space<vmem>>) semaphore(%arg9 : memref<!tpu.dma_semaphore, #tpu.memory_space<semaphore_mem>>)
      %sub3A = arith.constant 1 : i32
      %sub3A_38 = arith.subi %add3A_28, %sub3A : i32
      %dma_wait3A_39 = arith.constant 0 : i32
      %dma_wait3A_40 = tpu.memref_slice %arg5[%sub3A_38, %dma_wait3A_39] : memref<5x64xi32, #tpu.memory_space<vmem>> -> memref<1x64xi32, #tpu.memory_space<vmem>>
      %dma_wait3A_41 = tpu.memref_squeeze %dma_wait3A_40 : memref<1x64xi32, #tpu.memory_space<vmem>> -> memref<64xi32, #tpu.memory_space<vmem>>
      %dma_wait3A_42 = arith.constant 0 : i32
      %dma_wait3A_43 = arith.constant 0 : i32
      %dma_wait3A_44 = tpu.memref_slice %arg2[%dma_wait3A_42, %dma_wait3A_43] : memref<100000x256xf32, #tpu.memory_space<hbm>> -> memref<100000x256xf32, #tpu.memory_space<hbm>>
      tpu.wait_indirect_dma semaphore(%arg8 : memref<!tpu.dma_semaphore, #tpu.memory_space<semaphore_mem>>) src(%dma_wait3A_44 : memref<100000x256xf32, #tpu.memory_space<hbm>>) dst(%arg6 : memref<64x256xf32, #tpu.memory_space<vmem>>)
      %sub3A_45 = arith.constant 1 : i32
      %sub3A_46 = arith.subi %add3A_28, %sub3A_45 : i32
      %mul3A_47 = arith.constant 64 : i32
      %mul3A_48 = arith.muli %sub3A_46, %mul3A_47 : i32
      %add3A_49 = arith.addi %mul3A_2, %mul3A_48 : i32
      "tpu.region"() ({
        %run_scoped3A = tpu.sem_alloc : memref<!tpu.dma_semaphore, #tpu.memory_space<semaphore_mem>>
        %dma_start3A_66 = arith.constant 0 : i32
        %dma_start3A_67 = tpu.memref_slice %arg4[%add3A_49, %dma_start3A_66] : memref<10240x256xf32, #tpu.memory_space<hbm>> -> memref<64x256xf32, #tpu.memory_space<hbm>>
        %dma_start3A_68 = arith.constant 0 : i32
        %dma_start3A_69 = tpu.memref_slice %arg4[%add3A_49, %dma_start3A_68] : memref<10240x256xf32, #tpu.memory_space<hbm>> -> memref<64x256xf32, #tpu.memory_space<hbm>>
        tpu.enqueue_dma source(%arg6 : memref<64x256xf32, #tpu.memory_space<vmem>>) target(%dma_start3A_69 : memref<64x256xf32, #tpu.memory_space<hbm>>) target_semaphore(%run_scoped3A : memref<!tpu.dma_semaphore, #tpu.memory_space<semaphore_mem>>)
        %dma_wait3A_70 = arith.constant 0 : i32
        %dma_wait3A_71 = tpu.memref_slice %arg4[%add3A_49, %dma_wait3A_70] : memref<10240x256xf32, #tpu.memory_space<hbm>> -> memref<64x256xf32, #tpu.memory_space<hbm>>
        %dma_wait3A_72 = arith.constant 0 : i32
        %dma_wait3A_73 = tpu.memref_slice %arg4[%add3A_49, %dma_wait3A_72] : memref<10240x256xf32, #tpu.memory_space<hbm>> -> memref<64x256xf32, #tpu.memory_space<hbm>>
        tpu.wait_dma2 semaphore(%run_scoped3A : memref<!tpu.dma_semaphore, #tpu.memory_space<semaphore_mem>>) src(%arg6 : memref<64x256xf32, #tpu.memory_space<vmem>>) dst(%dma_wait3A_73 : memref<64x256xf32, #tpu.memory_space<hbm>>)
        tpu.yield
      }) : () -> ()
      %dma_start3A_50 = arith.constant 0 : i32
      %dma_start3A_51 = tpu.memref_slice %arg5[%min3A_31, %dma_start3A_50] : memref<5x64xi32, #tpu.memory_space<vmem>> -> memref<1x64xi32, #tpu.memory_space<vmem>>
      %dma_start3A_52 = tpu.memref_squeeze %dma_start3A_51 : memref<1x64xi32, #tpu.memory_space<vmem>> -> memref<64xi32, #tpu.memory_space<vmem>>
      %dma_start3A_53 = arith.constant 0 : i32
      %dma_start3A_54 = arith.constant 0 : i32
      %dma_start3A_55 = tpu.memref_slice %arg2[%dma_start3A_53, %dma_start3A_54] : memref<100000x256xf32, #tpu.memory_space<hbm>> -> memref<100000x256xf32, #tpu.memory_space<hbm>>
      tpu.enqueue_indirect_dma source(%dma_start3A_55 : memref<100000x256xf32, #tpu.memory_space<hbm>>) target(%arg6 : memref<64x256xf32, #tpu.memory_space<vmem>>) offsets(%dma_start3A_52 : memref<64xi32, #tpu.memory_space<vmem>>) semaphore(%arg8 : memref<!tpu.dma_semaphore, #tpu.memory_space<semaphore_mem>>)
      %dma_wait3A_56 = arith.constant 0 : i32
      %dma_wait3A_57 = tpu.memref_slice %arg5[%add3A_28, %dma_wait3A_56] : memref<5x64xi32, #tpu.memory_space<vmem>> -> memref<1x64xi32, #tpu.memory_space<vmem>>
      %dma_wait3A_58 = tpu.memref_squeeze %dma_wait3A_57 : memref<1x64xi32, #tpu.memory_space<vmem>> -> memref<64xi32, #tpu.memory_space<vmem>>
      %dma_wait3A_59 = arith.constant 0 : i32
      %dma_wait3A_60 = arith.constant 0 : i32
      %dma_wait3A_61 = tpu.memref_slice %arg2[%dma_wait3A_59, %dma_wait3A_60] : memref<100000x256xf32, #tpu.memory_space<hbm>> -> memref<100000x256xf32, #tpu.memory_space<hbm>>
      tpu.wait_indirect_dma semaphore(%arg9 : memref<!tpu.dma_semaphore, #tpu.memory_space<semaphore_mem>>) src(%dma_wait3A_61 : memref<100000x256xf32, #tpu.memory_space<hbm>>) dst(%arg7 : memref<64x256xf32, #tpu.memory_space<vmem>>)
      %mul3A_62 = arith.constant 64 : i32
      %mul3A_63 = arith.muli %add3A_28, %mul3A_62 : i32
      %add3A_64 = arith.addi %mul3A_2, %mul3A_63 : i32
      "tpu.region"() ({
        %run_scoped3A = tpu.sem_alloc : memref<!tpu.dma_semaphore, #tpu.memory_space<semaphore_mem>>
        %dma_start3A_66 = arith.constant 0 : i32
        %dma_start3A_67 = tpu.memref_slice %arg4[%add3A_64, %dma_start3A_66] : memref<10240x256xf32, #tpu.memory_space<hbm>> -> memref<64x256xf32, #tpu.memory_space<hbm>>
        %dma_start3A_68 = arith.constant 0 : i32
        %dma_start3A_69 = tpu.memref_slice %arg4[%add3A_64, %dma_start3A_68] : memref<10240x256xf32, #tpu.memory_space<hbm>> -> memref<64x256xf32, #tpu.memory_space<hbm>>
        tpu.enqueue_dma source(%arg7 : memref<64x256xf32, #tpu.memory_space<vmem>>) target(%dma_start3A_69 : memref<64x256xf32, #tpu.memory_space<hbm>>) target_semaphore(%run_scoped3A : memref<!tpu.dma_semaphore, #tpu.memory_space<semaphore_mem>>)
        %dma_wait3A_70 = arith.constant 0 : i32
        %dma_wait3A_71 = tpu.memref_slice %arg4[%add3A_64, %dma_wait3A_70] : memref<10240x256xf32, #tpu.memory_space<hbm>> -> memref<64x256xf32, #tpu.memory_space<hbm>>
        %dma_wait3A_72 = arith.constant 0 : i32
        %dma_wait3A_73 = tpu.memref_slice %arg4[%add3A_64, %dma_wait3A_72] : memref<10240x256xf32, #tpu.memory_space<hbm>> -> memref<64x256xf32, #tpu.memory_space<hbm>>
        tpu.wait_dma2 semaphore(%run_scoped3A : memref<!tpu.dma_semaphore, #tpu.memory_space<semaphore_mem>>) src(%arg7 : memref<64x256xf32, #tpu.memory_space<vmem>>) dst(%dma_wait3A_73 : memref<64x256xf32, #tpu.memory_space<hbm>>)
        tpu.yield
      }) : () -> ()
      %scan3A_65 = arith.constant 0 : i32
      scf.yield %scan3A_65 : i32
    }
    %scan3A_14 = arith.constant 2 : i32
    %dma_wait3A = arith.constant 4 : i32
    %dma_wait3A_15 = arith.constant 0 : i32
    %dma_wait3A_16 = tpu.memref_slice %arg5[%dma_wait3A, %dma_wait3A_15] : memref<5x64xi32, #tpu.memory_space<vmem>> -> memref<1x64xi32, #tpu.memory_space<vmem>>
    %dma_wait3A_17 = tpu.memref_squeeze %dma_wait3A_16 : memref<1x64xi32, #tpu.memory_space<vmem>> -> memref<64xi32, #tpu.memory_space<vmem>>
    %dma_wait3A_18 = arith.constant 0 : i32
    %dma_wait3A_19 = arith.constant 0 : i32
    %dma_wait3A_20 = tpu.memref_slice %arg2[%dma_wait3A_18, %dma_wait3A_19] : memref<100000x256xf32, #tpu.memory_space<hbm>> -> memref<100000x256xf32, #tpu.memory_space<hbm>>
    tpu.wait_indirect_dma semaphore(%arg8 : memref<!tpu.dma_semaphore, #tpu.memory_space<semaphore_mem>>) src(%dma_wait3A_20 : memref<100000x256xf32, #tpu.memory_space<hbm>>) dst(%arg6 : memref<64x256xf32, #tpu.memory_space<vmem>>)
    %add3A_21 = arith.constant 256 : i32
    %add3A_22 = arith.addi %mul3A_2, %add3A_21 : i32
    "tpu.region"() ({
      %run_scoped3A = tpu.sem_alloc : memref<!tpu.dma_semaphore, #tpu.memory_space<semaphore_mem>>
      %dma_start3A_23 = arith.constant 0 : i32
      %dma_start3A_24 = tpu.memref_slice %arg4[%add3A_22, %dma_start3A_23] : memref<10240x256xf32, #tpu.memory_space<hbm>> -> memref<64x256xf32, #tpu.memory_space<hbm>>
      %dma_start3A_25 = arith.constant 0 : i32
      %dma_start3A_26 = tpu.memref_slice %arg4[%add3A_22, %dma_start3A_25] : memref<10240x256xf32, #tpu.memory_space<hbm>> -> memref<64x256xf32, #tpu.memory_space<hbm>>
      tpu.enqueue_dma source(%arg6 : memref<64x256xf32, #tpu.memory_space<vmem>>) target(%dma_start3A_26 : memref<64x256xf32, #tpu.memory_space<hbm>>) target_semaphore(%run_scoped3A : memref<!tpu.dma_semaphore, #tpu.memory_space<semaphore_mem>>)
      %dma_wait3A_27 = arith.constant 0 : i32
      %dma_wait3A_28 = tpu.memref_slice %arg4[%add3A_22, %dma_wait3A_27] : memref<10240x256xf32, #tpu.memory_space<hbm>> -> memref<64x256xf32, #tpu.memory_space<hbm>>
      %dma_wait3A_29 = arith.constant 0 : i32
      %dma_wait3A_30 = tpu.memref_slice %arg4[%add3A_22, %dma_wait3A_29] : memref<10240x256xf32, #tpu.memory_space<hbm>> -> memref<64x256xf32, #tpu.memory_space<hbm>>
      tpu.wait_dma2 semaphore(%run_scoped3A : memref<!tpu.dma_semaphore, #tpu.memory_space<semaphore_mem>>) src(%arg6 : memref<64x256xf32, #tpu.memory_space<vmem>>) dst(%dma_wait3A_30 : memref<64x256xf32, #tpu.memory_space<hbm>>)
      tpu.yield
    }) : () -> ()
    return
  }
}

#map = affine_map<(d0, d1) -> (0, 0)>
#map1 = affine_map<(d0, d1) -> (0, 0, 0)>
module attributes {stable_mosaic.version = 14 : i64} {
  func.func @k(%arg0: i32, %arg1: i32, %arg2: memref<1024x128xf32, #tpu.memory_space<hbm>>, %arg3: memref<32x4x128xi32, #tpu.memory_space<hbm>>, %arg4: memref<32x4x128xi32, #tpu.memory_space<hbm>>, %arg5: memref<2x1024x128xf32, #tpu.memory_space<hbm>>, %arg6: memref<4x128xi32, #tpu.memory_space<vmem>>, %arg7: memref<4x128xi32, #tpu.memory_space<vmem>>, %arg8: memref<128x128xf32, #tpu.memory_space<vmem>>, %arg9: memref<128x128xf32, #tpu.memory_space<vmem>>, %arg10: memref<128x128xf32, #tpu.memory_space<vmem>>, %arg11: memref<128x128xf32, #tpu.memory_space<vmem>>, %arg12: memref<64x128xf32, #tpu.memory_space<vmem>>, %arg13: memref<1024x128xf32, #tpu.memory_space<vmem_shared>>, %arg14: memref<!tpu.dma_semaphore, #tpu.memory_space<semaphore_mem>>, %arg15: memref<!tpu.dma_semaphore, #tpu.memory_space<semaphore_mem>>, %arg16: memref<!tpu.dma_semaphore, #tpu.memory_space<semaphore_mem>>, %arg17: memref<!tpu.dma_semaphore, #tpu.memory_space<semaphore_mem>>) attributes {dimension_semantics = [#tpu.dimension_semantics<core_parallel>, #tpu.dimension_semantics<subcore_parallel>], iteration_bounds = array<i64: 2, 16>, scalar_prefetch = 0 : i64, scratch_operands = 12 : i64, tpu.core_type = #tpu.core_type<sc_vector_subcore>, window_params = [{transform_indices = #map}, {transform_indices = #map1}, {transform_indices = #map1}, {transform_indices = #map1}]} {
    %mul3A = arith.constant 2 : i32
    %mul3A_0 = arith.muli %arg1, %mul3A : i32
    %add3A = arith.addi %mul3A_0, %arg0 : i32
    %scan3A = arith.constant 0 : i32
    %scan3A_1 = arith.constant 0 : i32
    %scan3A_2 = arith.constant 64 : i32
    %scan3A_3 = arith.addi %scan3A_1, %scan3A_2 : i32
    %scan3A_4 = arith.constant 1 : i32
    %scan3A_5 = scf.for %scan3A_109 = %scan3A_1 to %scan3A_3 step %scan3A_4 iter_args(%scan3A_110 = %scan3A) -> (i32)  : i32 {
      %broadcast_in_dim3A = arith.constant 0.000000e+00 : f32
      %broadcast_in_dim3A_111 = vector.broadcast %broadcast_in_dim3A : f32 to vector<16xf32>
      %swap3A = arith.index_cast %scan3A_109 : i32 to index
      %swap3A_112 = arith.constant 0 : index
      %swap3A_113 = tpu.vector_load %arg12[%swap3A, %swap3A_112] {strides = array<i32>} : memref<64x128xf32, #tpu.memory_space<vmem>>, vector<1x16xf32>,
      %swap3A_114 = vector.shape_cast %swap3A_113 : vector<1x16xf32> to vector<16xf32>
      %swap3A_115 = vector.shape_cast %broadcast_in_dim3A_111 : vector<16xf32> to vector<1x16xf32>
      tpu.vector_store %arg12[%swap3A, %swap3A_112], %swap3A_115 {strides = array<i32>} : memref<64x128xf32, #tpu.memory_space<vmem>>, vector<1x16xf32>,
      %broadcast_in_dim3A_116 = arith.constant 0.000000e+00 : f32
      %broadcast_in_dim3A_117 = vector.broadcast %broadcast_in_dim3A_116 : f32 to vector<16xf32>
      %swap3A_118 = arith.index_cast %scan3A_109 : i32 to index
      %swap3A_119 = arith.constant 16 : index
      %swap3A_120 = tpu.vector_load %arg12[%swap3A_118, %swap3A_119] {strides = array<i32>} : memref<64x128xf32, #tpu.memory_space<vmem>>, vector<1x16xf32>,
      %swap3A_121 = vector.shape_cast %swap3A_120 : vector<1x16xf32> to vector<16xf32>
      %swap3A_122 = vector.shape_cast %broadcast_in_dim3A_117 : vector<16xf32> to vector<1x16xf32>
      tpu.vector_store %arg12[%swap3A_118, %swap3A_119], %swap3A_122 {strides = array<i32>} : memref<64x128xf32, #tpu.memory_space<vmem>>, vector<1x16xf32>,
      %broadcast_in_dim3A_123 = arith.constant 0.000000e+00 : f32
      %broadcast_in_dim3A_124 = vector.broadcast %broadcast_in_dim3A_123 : f32 to vector<16xf32>
      %swap3A_125 = arith.index_cast %scan3A_109 : i32 to index
      %swap3A_126 = arith.constant 32 : index
      %swap3A_127 = tpu.vector_load %arg12[%swap3A_125, %swap3A_126] {strides = array<i32>} : memref<64x128xf32, #tpu.memory_space<vmem>>, vector<1x16xf32>,
      %swap3A_128 = vector.shape_cast %swap3A_127 : vector<1x16xf32> to vector<16xf32>
      %swap3A_129 = vector.shape_cast %broadcast_in_dim3A_124 : vector<16xf32> to vector<1x16xf32>
      tpu.vector_store %arg12[%swap3A_125, %swap3A_126], %swap3A_129 {strides = array<i32>} : memref<64x128xf32, #tpu.memory_space<vmem>>, vector<1x16xf32>,
      %broadcast_in_dim3A_130 = arith.constant 0.000000e+00 : f32
      %broadcast_in_dim3A_131 = vector.broadcast %broadcast_in_dim3A_130 : f32 to vector<16xf32>
      %swap3A_132 = arith.index_cast %scan3A_109 : i32 to index
      %swap3A_133 = arith.constant 48 : index
      %swap3A_134 = tpu.vector_load %arg12[%swap3A_132, %swap3A_133] {strides = array<i32>} : memref<64x128xf32, #tpu.memory_space<vmem>>, vector<1x16xf32>,
      %swap3A_135 = vector.shape_cast %swap3A_134 : vector<1x16xf32> to vector<16xf32>
      %swap3A_136 = vector.shape_cast %broadcast_in_dim3A_131 : vector<16xf32> to vector<1x16xf32>
      tpu.vector_store %arg12[%swap3A_132, %swap3A_133], %swap3A_136 {strides = array<i32>} : memref<64x128xf32, #tpu.memory_space<vmem>>, vector<1x16xf32>,
      %broadcast_in_dim3A_137 = arith.constant 0.000000e+00 : f32
      %broadcast_in_dim3A_138 = vector.broadcast %broadcast_in_dim3A_137 : f32 to vector<16xf32>
      %swap3A_139 = arith.index_cast %scan3A_109 : i32 to index
      %swap3A_140 = arith.constant 64 : index
      %swap3A_141 = tpu.vector_load %arg12[%swap3A_139, %swap3A_140] {strides = array<i32>} : memref<64x128xf32, #tpu.memory_space<vmem>>, vector<1x16xf32>,
      %swap3A_142 = vector.shape_cast %swap3A_141 : vector<1x16xf32> to vector<16xf32>
      %swap3A_143 = vector.shape_cast %broadcast_in_dim3A_138 : vector<16xf32> to vector<1x16xf32>
      tpu.vector_store %arg12[%swap3A_139, %swap3A_140], %swap3A_143 {strides = array<i32>} : memref<64x128xf32, #tpu.memory_space<vmem>>, vector<1x16xf32>,
      %broadcast_in_dim3A_144 = arith.constant 0.000000e+00 : f32
      %broadcast_in_dim3A_145 = vector.broadcast %broadcast_in_dim3A_144 : f32 to vector<16xf32>
      %swap3A_146 = arith.index_cast %scan3A_109 : i32 to index
      %swap3A_147 = arith.constant 80 : index
      %swap3A_148 = tpu.vector_load %arg12[%swap3A_146, %swap3A_147] {strides = array<i32>} : memref<64x128xf32, #tpu.memory_space<vmem>>, vector<1x16xf32>,
      %swap3A_149 = vector.shape_cast %swap3A_148 : vector<1x16xf32> to vector<16xf32>
      %swap3A_150 = vector.shape_cast %broadcast_in_dim3A_145 : vector<16xf32> to vector<1x16xf32>
      tpu.vector_store %arg12[%swap3A_146, %swap3A_147], %swap3A_150 {strides = array<i32>} : memref<64x128xf32, #tpu.memory_space<vmem>>, vector<1x16xf32>,
      %broadcast_in_dim3A_151 = arith.constant 0.000000e+00 : f32
      %broadcast_in_dim3A_152 = vector.broadcast %broadcast_in_dim3A_151 : f32 to vector<16xf32>
      %swap3A_153 = arith.index_cast %scan3A_109 : i32 to index
      %swap3A_154 = arith.constant 96 : index
      %swap3A_155 = tpu.vector_load %arg12[%swap3A_153, %swap3A_154] {strides = array<i32>} : memref<64x128xf32, #tpu.memory_space<vmem>>, vector<1x16xf32>,
      %swap3A_156 = vector.shape_cast %swap3A_155 : vector<1x16xf32> to vector<16xf32>
      %swap3A_157 = vector.shape_cast %broadcast_in_dim3A_152 : vector<16xf32> to vector<1x16xf32>
      tpu.vector_store %arg12[%swap3A_153, %swap3A_154], %swap3A_157 {strides = array<i32>} : memref<64x128xf32, #tpu.memory_space<vmem>>, vector<1x16xf32>,
      %broadcast_in_dim3A_158 = arith.constant 0.000000e+00 : f32
      %broadcast_in_dim3A_159 = vector.broadcast %broadcast_in_dim3A_158 : f32 to vector<16xf32>
      %swap3A_160 = arith.index_cast %scan3A_109 : i32 to index
      %swap3A_161 = arith.constant 112 : index
      %swap3A_162 = tpu.vector_load %arg12[%swap3A_160, %swap3A_161] {strides = array<i32>} : memref<64x128xf32, #tpu.memory_space<vmem>>, vector<1x16xf32>,
      %swap3A_163 = vector.shape_cast %swap3A_162 : vector<1x16xf32> to vector<16xf32>
      %swap3A_164 = vector.shape_cast %broadcast_in_dim3A_159 : vector<16xf32> to vector<1x16xf32>
      tpu.vector_store %arg12[%swap3A_160, %swap3A_161], %swap3A_164 {strides = array<i32>} : memref<64x128xf32, #tpu.memory_space<vmem>>, vector<1x16xf32>,
      %scan3A_165 = arith.constant 0 : i32
      scf.yield %scan3A_165 : i32
    }
    %scan3A_6 = arith.constant 64 : i32
    %mul3A_7 = arith.constant 64 : i32
    %mul3A_8 = arith.muli %arg1, %mul3A_7 : i32
    "tpu.region"() ({
      %run_scoped3A = tpu.sem_alloc : memref<!tpu.dma_semaphore, #tpu.memory_space<semaphore_mem>>
      %dma_start3A_109 = arith.constant 0 : i32
      %dma_start3A_110 = tpu.memref_slice %arg13[%mul3A_8, %dma_start3A_109] : memref<1024x128xf32, #tpu.memory_space<vmem_shared>> -> memref<64x128xf32, #tpu.memory_space<vmem_shared>>
      %dma_start3A_111 = arith.constant 0 : i32
      %dma_start3A_112 = tpu.memref_slice %arg13[%mul3A_8, %dma_start3A_111] : memref<1024x128xf32, #tpu.memory_space<vmem_shared>> -> memref<64x128xf32, #tpu.memory_space<vmem_shared>>
      tpu.enqueue_dma source(%arg12 : memref<64x128xf32, #tpu.memory_space<vmem>>) target(%dma_start3A_112 : memref<64x128xf32, #tpu.memory_space<vmem_shared>>) target_semaphore(%run_scoped3A : memref<!tpu.dma_semaphore, #tpu.memory_space<semaphore_mem>>)
      %dma_wait3A_113 = arith.constant 0 : i32
      %dma_wait3A_114 = tpu.memref_slice %arg13[%mul3A_8, %dma_wait3A_113] : memref<1024x128xf32, #tpu.memory_space<vmem_shared>> -> memref<64x128xf32, #tpu.memory_space<vmem_shared>>
      %dma_wait3A_115 = arith.constant 0 : i32
      %dma_wait3A_116 = tpu.memref_slice %arg13[%mul3A_8, %dma_wait3A_115] : memref<1024x128xf32, #tpu.memory_space<vmem_shared>> -> memref<64x128xf32, #tpu.memory_space<vmem_shared>>
      tpu.wait_dma2 semaphore(%run_scoped3A : memref<!tpu.dma_semaphore, #tpu.memory_space<semaphore_mem>>) src(%arg12 : memref<64x128xf32, #tpu.memory_space<vmem>>) dst(%dma_wait3A_116 : memref<64x128xf32, #tpu.memory_space<vmem_shared>>)
      tpu.yield
    }) : () -> ()
    "tpu.region"() ({
      %run_scoped3A = tpu.sem_alloc : memref<!tpu.dma_semaphore, #tpu.memory_space<semaphore_mem>>
      %dma_start3A_109 = arith.constant 0 : i32
      %dma_start3A_110 = arith.constant 0 : i32
      %dma_start3A_111 = tpu.memref_slice %arg3[%add3A, %dma_start3A_109, %dma_start3A_110] : memref<32x4x128xi32, #tpu.memory_space<hbm>> -> memref<1x4x128xi32, #tpu.memory_space<hbm>>
      %dma_start3A_112 = tpu.memref_squeeze %dma_start3A_111 : memref<1x4x128xi32, #tpu.memory_space<hbm>> -> memref<4x128xi32, #tpu.memory_space<hbm>>
      %dma_start3A_113 = arith.constant 0 : i32
      %dma_start3A_114 = arith.constant 0 : i32
      %dma_start3A_115 = tpu.memref_slice %arg3[%add3A, %dma_start3A_113, %dma_start3A_114] : memref<32x4x128xi32, #tpu.memory_space<hbm>> -> memref<1x4x128xi32, #tpu.memory_space<hbm>>
      %dma_start3A_116 = tpu.memref_squeeze %dma_start3A_115 : memref<1x4x128xi32, #tpu.memory_space<hbm>> -> memref<4x128xi32, #tpu.memory_space<hbm>>
      tpu.enqueue_dma source(%dma_start3A_116 : memref<4x128xi32, #tpu.memory_space<hbm>>) target(%arg6 : memref<4x128xi32, #tpu.memory_space<vmem>>) target_semaphore(%run_scoped3A : memref<!tpu.dma_semaphore, #tpu.memory_space<semaphore_mem>>)
      %dma_wait3A_117 = arith.constant 0 : i32
      %dma_wait3A_118 = arith.constant 0 : i32
      %dma_wait3A_119 = tpu.memref_slice %arg3[%add3A, %dma_wait3A_117, %dma_wait3A_118] : memref<32x4x128xi32, #tpu.memory_space<hbm>> -> memref<1x4x128xi32, #tpu.memory_space<hbm>>
      %dma_wait3A_120 = tpu.memref_squeeze %dma_wait3A_119 : memref<1x4x128xi32, #tpu.memory_space<hbm>> -> memref<4x128xi32, #tpu.memory_space<hbm>>
      %dma_wait3A_121 = arith.constant 0 : i32
      %dma_wait3A_122 = arith.constant 0 : i32
      %dma_wait3A_123 = tpu.memref_slice %arg3[%add3A, %dma_wait3A_121, %dma_wait3A_122] : memref<32x4x128xi32, #tpu.memory_space<hbm>> -> memref<1x4x128xi32, #tpu.memory_space<hbm>>
      %dma_wait3A_124 = tpu.memref_squeeze %dma_wait3A_123 : memref<1x4x128xi32, #tpu.memory_space<hbm>> -> memref<4x128xi32, #tpu.memory_space<hbm>>
      tpu.wait_dma2 semaphore(%run_scoped3A : memref<!tpu.dma_semaphore, #tpu.memory_space<semaphore_mem>>) src(%dma_wait3A_124 : memref<4x128xi32, #tpu.memory_space<hbm>>) dst(%arg6 : memref<4x128xi32, #tpu.memory_space<vmem>>)
      tpu.yield
    }) : () -> ()
    "tpu.region"() ({
      %run_scoped3A = tpu.sem_alloc : memref<!tpu.dma_semaphore, #tpu.memory_space<semaphore_mem>>
      %dma_start3A_109 = arith.constant 0 : i32
      %dma_start3A_110 = arith.constant 0 : i32
      %dma_start3A_111 = tpu.memref_slice %arg4[%add3A, %dma_start3A_109, %dma_start3A_110] : memref<32x4x128xi32, #tpu.memory_space<hbm>> -> memref<1x4x128xi32, #tpu.memory_space<hbm>>
      %dma_start3A_112 = tpu.memref_squeeze %dma_start3A_111 : memref<1x4x128xi32, #tpu.memory_space<hbm>> -> memref<4x128xi32, #tpu.memory_space<hbm>>
      %dma_start3A_113 = arith.constant 0 : i32
      %dma_start3A_114 = arith.constant 0 : i32
      %dma_start3A_115 = tpu.memref_slice %arg4[%add3A, %dma_start3A_113, %dma_start3A_114] : memref<32x4x128xi32, #tpu.memory_space<hbm>> -> memref<1x4x128xi32, #tpu.memory_space<hbm>>
      %dma_start3A_116 = tpu.memref_squeeze %dma_start3A_115 : memref<1x4x128xi32, #tpu.memory_space<hbm>> -> memref<4x128xi32, #tpu.memory_space<hbm>>
      tpu.enqueue_dma source(%dma_start3A_116 : memref<4x128xi32, #tpu.memory_space<hbm>>) target(%arg7 : memref<4x128xi32, #tpu.memory_space<vmem>>) target_semaphore(%run_scoped3A : memref<!tpu.dma_semaphore, #tpu.memory_space<semaphore_mem>>)
      %dma_wait3A_117 = arith.constant 0 : i32
      %dma_wait3A_118 = arith.constant 0 : i32
      %dma_wait3A_119 = tpu.memref_slice %arg4[%add3A, %dma_wait3A_117, %dma_wait3A_118] : memref<32x4x128xi32, #tpu.memory_space<hbm>> -> memref<1x4x128xi32, #tpu.memory_space<hbm>>
      %dma_wait3A_120 = tpu.memref_squeeze %dma_wait3A_119 : memref<1x4x128xi32, #tpu.memory_space<hbm>> -> memref<4x128xi32, #tpu.memory_space<hbm>>
      %dma_wait3A_121 = arith.constant 0 : i32
      %dma_wait3A_122 = arith.constant 0 : i32
      %dma_wait3A_123 = tpu.memref_slice %arg4[%add3A, %dma_wait3A_121, %dma_wait3A_122] : memref<32x4x128xi32, #tpu.memory_space<hbm>> -> memref<1x4x128xi32, #tpu.memory_space<hbm>>
      %dma_wait3A_124 = tpu.memref_squeeze %dma_wait3A_123 : memref<1x4x128xi32, #tpu.memory_space<hbm>> -> memref<4x128xi32, #tpu.memory_space<hbm>>
      tpu.wait_dma2 semaphore(%run_scoped3A : memref<!tpu.dma_semaphore, #tpu.memory_space<semaphore_mem>>) src(%dma_wait3A_124 : memref<4x128xi32, #tpu.memory_space<hbm>>) dst(%arg7 : memref<4x128xi32, #tpu.memory_space<vmem>>)
      tpu.yield
    }) : () -> ()
    %barrier3A = arith.constant 0 : index
    tpu.barrier barrier_id(%barrier3A)
    %dma_start3A = arith.constant 0 : i32
    %dma_start3A_9 = arith.constant 0 : i32
    %dma_start3A_10 = tpu.memref_slice %arg6[%dma_start3A, %dma_start3A_9] : memref<4x128xi32, #tpu.memory_space<vmem>> -> memref<1x128xi32, #tpu.memory_space<vmem>>
    %dma_start3A_11 = tpu.memref_squeeze %dma_start3A_10 : memref<1x128xi32, #tpu.memory_space<vmem>> -> memref<128xi32, #tpu.memory_space<vmem>>
    %dma_start3A_12 = arith.constant 0 : i32
    %dma_start3A_13 = arith.constant 0 : i32
    %dma_start3A_14 = tpu.memref_slice %arg2[%dma_start3A_12, %dma_start3A_13] : memref<1024x128xf32, #tpu.memory_space<hbm>> -> memref<1024x128xf32, #tpu.memory_space<hbm>>
    tpu.enqueue_indirect_dma source(%dma_start3A_14 : memref<1024x128xf32, #tpu.memory_space<hbm>>) target(%arg8 : memref<128x128xf32, #tpu.memory_space<vmem>>) offsets(%dma_start3A_11 : memref<128xi32, #tpu.memory_space<vmem>>) semaphore(%arg14 : memref<!tpu.dma_semaphore, #tpu.memory_space<semaphore_mem>>)
    %dma_start3A_15 = arith.constant 1 : i32
    %dma_start3A_16 = arith.constant 0 : i32
    %dma_start3A_17 = tpu.memref_slice %arg6[%dma_start3A_15, %dma_start3A_16] : memref<4x128xi32, #tpu.memory_space<vmem>> -> memref<1x128xi32, #tpu.memory_space<vmem>>
    %dma_start3A_18 = tpu.memref_squeeze %dma_start3A_17 : memref<1x128xi32, #tpu.memory_space<vmem>> -> memref<128xi32, #tpu.memory_space<vmem>>
    %dma_start3A_19 = arith.constant 0 : i32
    %dma_start3A_20 = arith.constant 0 : i32
    %dma_start3A_21 = tpu.memref_slice %arg2[%dma_start3A_19, %dma_start3A_20] : memref<1024x128xf32, #tpu.memory_space<hbm>> -> memref<1024x128xf32, #tpu.memory_space<hbm>>
    tpu.enqueue_indirect_dma source(%dma_start3A_21 : memref<1024x128xf32, #tpu.memory_space<hbm>>) target(%arg9 : memref<128x128xf32, #tpu.memory_space<vmem>>) offsets(%dma_start3A_18 : memref<128xi32, #tpu.memory_space<vmem>>) semaphore(%arg15 : memref<!tpu.dma_semaphore, #tpu.memory_space<semaphore_mem>>)
    %dma_start3A_22 = arith.constant 2 : i32
    %dma_start3A_23 = arith.constant 0 : i32
    %dma_start3A_24 = tpu.memref_slice %arg6[%dma_start3A_22, %dma_start3A_23] : memref<4x128xi32, #tpu.memory_space<vmem>> -> memref<1x128xi32, #tpu.memory_space<vmem>>
    %dma_start3A_25 = tpu.memref_squeeze %dma_start3A_24 : memref<1x128xi32, #tpu.memory_space<vmem>> -> memref<128xi32, #tpu.memory_space<vmem>>
    %dma_start3A_26 = arith.constant 0 : i32
    %dma_start3A_27 = arith.constant 0 : i32
    %dma_start3A_28 = tpu.memref_slice %arg2[%dma_start3A_26, %dma_start3A_27] : memref<1024x128xf32, #tpu.memory_space<hbm>> -> memref<1024x128xf32, #tpu.memory_space<hbm>>
    tpu.enqueue_indirect_dma source(%dma_start3A_28 : memref<1024x128xf32, #tpu.memory_space<hbm>>) target(%arg10 : memref<128x128xf32, #tpu.memory_space<vmem>>) offsets(%dma_start3A_25 : memref<128xi32, #tpu.memory_space<vmem>>) semaphore(%arg16 : memref<!tpu.dma_semaphore, #tpu.memory_space<semaphore_mem>>)
    %scan3A_29 = arith.constant 0 : i32
    %scan3A_30 = arith.constant 0 : i32
    %mul3A_31 = arith.constant 4 : i32
    %mul3A_32 = arith.muli %scan3A_30, %mul3A_31 : i32
    %add3A_33 = arith.constant 0 : i32
    %add3A_34 = arith.addi %mul3A_32, %add3A_33 : i32
    %add3A_35 = arith.constant 4 : i32
    %add3A_36 = arith.addi %add3A_34, %add3A_35 : i32
    %sub3A = arith.constant 1 : i32
    %sub3A_37 = arith.subi %add3A_36, %sub3A : i32
    %le3A = arith.constant 3 : i32
    %le3A_38 = arith.cmpi sle, %sub3A_37, %le3A : i32
    %convert_element_type3A = arith.extui %le3A_38 : i1 to i32
    %cond3A = arith.constant 0 : i32
    %cond3A_39 = arith.cmpi ne, %convert_element_type3A, %cond3A : i32
    scf.if %cond3A_39 {
      %dma_start3A_109 = arith.constant 0 : i32
      %dma_start3A_110 = tpu.memref_slice %arg6[%sub3A_37, %dma_start3A_109] : memref<4x128xi32, #tpu.memory_space<vmem>> -> memref<1x128xi32, #tpu.memory_space<vmem>>
      %dma_start3A_111 = tpu.memref_squeeze %dma_start3A_110 : memref<1x128xi32, #tpu.memory_space<vmem>> -> memref<128xi32, #tpu.memory_space<vmem>>
      %dma_start3A_112 = arith.constant 0 : i32
      %dma_start3A_113 = arith.constant 0 : i32
      %dma_start3A_114 = tpu.memref_slice %arg2[%dma_start3A_112, %dma_start3A_113] : memref<1024x128xf32, #tpu.memory_space<hbm>> -> memref<1024x128xf32, #tpu.memory_space<hbm>>
      tpu.enqueue_indirect_dma source(%dma_start3A_114 : memref<1024x128xf32, #tpu.memory_space<hbm>>) target(%arg11 : memref<128x128xf32, #tpu.memory_space<vmem>>) offsets(%dma_start3A_111 : memref<128xi32, #tpu.memory_space<vmem>>) semaphore(%arg17 : memref<!tpu.dma_semaphore, #tpu.memory_space<semaphore_mem>>)
    } else {
    }
    %dma_wait3A = arith.constant 0 : i32
    %dma_wait3A_40 = tpu.memref_slice %arg6[%add3A_34, %dma_wait3A] : memref<4x128xi32, #tpu.memory_space<vmem>> -> memref<1x128xi32, #tpu.memory_space<vmem>>
    %dma_wait3A_41 = tpu.memref_squeeze %dma_wait3A_40 : memref<1x128xi32, #tpu.memory_space<vmem>> -> memref<128xi32, #tpu.memory_space<vmem>>
    %dma_wait3A_42 = arith.constant 0 : i32
    %dma_wait3A_43 = arith.constant 0 : i32
    %dma_wait3A_44 = tpu.memref_slice %arg2[%dma_wait3A_42, %dma_wait3A_43] : memref<1024x128xf32, #tpu.memory_space<hbm>> -> memref<1024x128xf32, #tpu.memory_space<hbm>>
    tpu.wait_indirect_dma semaphore(%arg14 : memref<!tpu.dma_semaphore, #tpu.memory_space<semaphore_mem>>) src(%dma_wait3A_44 : memref<1024x128xf32, #tpu.memory_space<hbm>>) dst(%arg8 : memref<128x128xf32, #tpu.memory_space<vmem>>)
    "tpu.region"() ({
      %run_scoped3A = tpu.sem_alloc : memref<!tpu.dma_semaphore, #tpu.memory_space<semaphore_mem>>
      %dma_start3A_109 = arith.constant 0 : i32
      %dma_start3A_110 = tpu.memref_slice %arg7[%add3A_34, %dma_start3A_109] : memref<4x128xi32, #tpu.memory_space<vmem>> -> memref<1x128xi32, #tpu.memory_space<vmem>>
      %dma_start3A_111 = tpu.memref_squeeze %dma_start3A_110 : memref<1x128xi32, #tpu.memory_space<vmem>> -> memref<128xi32, #tpu.memory_space<vmem>>
      %dma_start3A_112 = arith.constant 0 : i32
      %dma_start3A_113 = arith.constant 0 : i32
      %dma_start3A_114 = tpu.memref_slice %arg13[%dma_start3A_112, %dma_start3A_113] : memref<1024x128xf32, #tpu.memory_space<vmem_shared>> -> memref<1024x128xf32, #tpu.memory_space<vmem_shared>>
      tpu.enqueue_indirect_dma source(%arg8 : memref<128x128xf32, #tpu.memory_space<vmem>>) target(%dma_start3A_114 : memref<1024x128xf32, #tpu.memory_space<vmem_shared>>) offsets(%dma_start3A_111 : memref<128xi32, #tpu.memory_space<vmem>>) semaphore(%run_scoped3A : memref<!tpu.dma_semaphore, #tpu.memory_space<semaphore_mem>>) {add = true}
      %dma_wait3A_115 = arith.constant 0 : i32
      %dma_wait3A_116 = tpu.memref_slice %arg7[%add3A_34, %dma_wait3A_115] : memref<4x128xi32, #tpu.memory_space<vmem>> -> memref<1x128xi32, #tpu.memory_space<vmem>>
      %dma_wait3A_117 = tpu.memref_squeeze %dma_wait3A_116 : memref<1x128xi32, #tpu.memory_space<vmem>> -> memref<128xi32, #tpu.memory_space<vmem>>
      %dma_wait3A_118 = arith.constant 0 : i32
      %dma_wait3A_119 = arith.constant 0 : i32
      %dma_wait3A_120 = tpu.memref_slice %arg13[%dma_wait3A_118, %dma_wait3A_119] : memref<1024x128xf32, #tpu.memory_space<vmem_shared>> -> memref<1024x128xf32, #tpu.memory_space<vmem_shared>>
      tpu.wait_indirect_dma semaphore(%run_scoped3A : memref<!tpu.dma_semaphore, #tpu.memory_space<semaphore_mem>>) src(%arg8 : memref<128x128xf32, #tpu.memory_space<vmem>>) dst(%dma_wait3A_120 : memref<1024x128xf32, #tpu.memory_space<vmem_shared>>)
      tpu.yield
    }) : () -> ()
    %mul3A_45 = arith.constant 4 : i32
    %mul3A_46 = arith.muli %scan3A_30, %mul3A_45 : i32
    %add3A_47 = arith.constant 1 : i32
    %add3A_48 = arith.addi %mul3A_46, %add3A_47 : i32
    %add3A_49 = arith.constant 4 : i32
    %add3A_50 = arith.addi %add3A_48, %add3A_49 : i32
    %sub3A_51 = arith.constant 1 : i32
    %sub3A_52 = arith.subi %add3A_50, %sub3A_51 : i32
    %le3A_53 = arith.constant 3 : i32
    %le3A_54 = arith.cmpi sle, %sub3A_52, %le3A_53 : i32
    %convert_element_type3A_55 = arith.extui %le3A_54 : i1 to i32
    %cond3A_56 = arith.constant 0 : i32
    %cond3A_57 = arith.cmpi ne, %convert_element_type3A_55, %cond3A_56 : i32
    scf.if %cond3A_57 {
      %dma_start3A_109 = arith.constant 0 : i32
      %dma_start3A_110 = tpu.memref_slice %arg6[%sub3A_52, %dma_start3A_109] : memref<4x128xi32, #tpu.memory_space<vmem>> -> memref<1x128xi32, #tpu.memory_space<vmem>>
      %dma_start3A_111 = tpu.memref_squeeze %dma_start3A_110 : memref<1x128xi32, #tpu.memory_space<vmem>> -> memref<128xi32, #tpu.memory_space<vmem>>
      %dma_start3A_112 = arith.constant 0 : i32
      %dma_start3A_113 = arith.constant 0 : i32
      %dma_start3A_114 = tpu.memref_slice %arg2[%dma_start3A_112, %dma_start3A_113] : memref<1024x128xf32, #tpu.memory_space<hbm>> -> memref<1024x128xf32, #tpu.memory_space<hbm>>
      tpu.enqueue_indirect_dma source(%dma_start3A_114 : memref<1024x128xf32, #tpu.memory_space<hbm>>) target(%arg8 : memref<128x128xf32, #tpu.memory_space<vmem>>) offsets(%dma_start3A_111 : memref<128xi32, #tpu.memory_space<vmem>>) semaphore(%arg14 : memref<!tpu.dma_semaphore, #tpu.memory_space<semaphore_mem>>)
    } else {
    }
    %dma_wait3A_58 = arith.constant 0 : i32
    %dma_wait3A_59 = tpu.memref_slice %arg6[%add3A_48, %dma_wait3A_58] : memref<4x128xi32, #tpu.memory_space<vmem>> -> memref<1x128xi32, #tpu.memory_space<vmem>>
    %dma_wait3A_60 = tpu.memref_squeeze %dma_wait3A_59 : memref<1x128xi32, #tpu.memory_space<vmem>> -> memref<128xi32, #tpu.memory_space<vmem>>
    %dma_wait3A_61 = arith.constant 0 : i32
    %dma_wait3A_62 = arith.constant 0 : i32
    %dma_wait3A_63 = tpu.memref_slice %arg2[%dma_wait3A_61, %dma_wait3A_62] : memref<1024x128xf32, #tpu.memory_space<hbm>> -> memref<1024x128xf32, #tpu.memory_space<hbm>>
    tpu.wait_indirect_dma semaphore(%arg15 : memref<!tpu.dma_semaphore, #tpu.memory_space<semaphore_mem>>) src(%dma_wait3A_63 : memref<1024x128xf32, #tpu.memory_space<hbm>>) dst(%arg9 : memref<128x128xf32, #tpu.memory_space<vmem>>)
    "tpu.region"() ({
      %run_scoped3A = tpu.sem_alloc : memref<!tpu.dma_semaphore, #tpu.memory_space<semaphore_mem>>
      %dma_start3A_109 = arith.constant 0 : i32
      %dma_start3A_110 = tpu.memref_slice %arg7[%add3A_48, %dma_start3A_109] : memref<4x128xi32, #tpu.memory_space<vmem>> -> memref<1x128xi32, #tpu.memory_space<vmem>>
      %dma_start3A_111 = tpu.memref_squeeze %dma_start3A_110 : memref<1x128xi32, #tpu.memory_space<vmem>> -> memref<128xi32, #tpu.memory_space<vmem>>
      %dma_start3A_112 = arith.constant 0 : i32
      %dma_start3A_113 = arith.constant 0 : i32
      %dma_start3A_114 = tpu.memref_slice %arg13[%dma_start3A_112, %dma_start3A_113] : memref<1024x128xf32, #tpu.memory_space<vmem_shared>> -> memref<1024x128xf32, #tpu.memory_space<vmem_shared>>
      tpu.enqueue_indirect_dma source(%arg9 : memref<128x128xf32, #tpu.memory_space<vmem>>) target(%dma_start3A_114 : memref<1024x128xf32, #tpu.memory_space<vmem_shared>>) offsets(%dma_start3A_111 : memref<128xi32, #tpu.memory_space<vmem>>) semaphore(%run_scoped3A : memref<!tpu.dma_semaphore, #tpu.memory_space<semaphore_mem>>) {add = true}
      %dma_wait3A_115 = arith.constant 0 : i32
      %dma_wait3A_116 = tpu.memref_slice %arg7[%add3A_48, %dma_wait3A_115] : memref<4x128xi32, #tpu.memory_space<vmem>> -> memref<1x128xi32, #tpu.memory_space<vmem>>
      %dma_wait3A_117 = tpu.memref_squeeze %dma_wait3A_116 : memref<1x128xi32, #tpu.memory_space<vmem>> -> memref<128xi32, #tpu.memory_space<vmem>>
      %dma_wait3A_118 = arith.constant 0 : i32
      %dma_wait3A_119 = arith.constant 0 : i32
      %dma_wait3A_120 = tpu.memref_slice %arg13[%dma_wait3A_118, %dma_wait3A_119] : memref<1024x128xf32, #tpu.memory_space<vmem_shared>> -> memref<1024x128xf32, #tpu.memory_space<vmem_shared>>
      tpu.wait_indirect_dma semaphore(%run_scoped3A : memref<!tpu.dma_semaphore, #tpu.memory_space<semaphore_mem>>) src(%arg9 : memref<128x128xf32, #tpu.memory_space<vmem>>) dst(%dma_wait3A_120 : memref<1024x128xf32, #tpu.memory_space<vmem_shared>>)
      tpu.yield
    }) : () -> ()
    %mul3A_64 = arith.constant 4 : i32
    %mul3A_65 = arith.muli %scan3A_30, %mul3A_64 : i32
    %add3A_66 = arith.constant 2 : i32
    %add3A_67 = arith.addi %mul3A_65, %add3A_66 : i32
    %add3A_68 = arith.constant 4 : i32
    %add3A_69 = arith.addi %add3A_67, %add3A_68 : i32
    %sub3A_70 = arith.constant 1 : i32
    %sub3A_71 = arith.subi %add3A_69, %sub3A_70 : i32
    %le3A_72 = arith.constant 3 : i32
    %le3A_73 = arith.cmpi sle, %sub3A_71, %le3A_72 : i32
    %convert_element_type3A_74 = arith.extui %le3A_73 : i1 to i32
    %cond3A_75 = arith.constant 0 : i32
    %cond3A_76 = arith.cmpi ne, %convert_element_type3A_74, %cond3A_75 : i32
    scf.if %cond3A_76 {
      %dma_start3A_109 = arith.constant 0 : i32
      %dma_start3A_110 = tpu.memref_slice %arg6[%sub3A_71, %dma_start3A_109] : memref<4x128xi32, #tpu.memory_space<vmem>> -> memref<1x128xi32, #tpu.memory_space<vmem>>
      %dma_start3A_111 = tpu.memref_squeeze %dma_start3A_110 : memref<1x128xi32, #tpu.memory_space<vmem>> -> memref<128xi32, #tpu.memory_space<vmem>>
      %dma_start3A_112 = arith.constant 0 : i32
      %dma_start3A_113 = arith.constant 0 : i32
      %dma_start3A_114 = tpu.memref_slice %arg2[%dma_start3A_112, %dma_start3A_113] : memref<1024x128xf32, #tpu.memory_space<hbm>> -> memref<1024x128xf32, #tpu.memory_space<hbm>>
      tpu.enqueue_indirect_dma source(%dma_start3A_114 : memref<1024x128xf32, #tpu.memory_space<hbm>>) target(%arg9 : memref<128x128xf32, #tpu.memory_space<vmem>>) offsets(%dma_start3A_111 : memref<128xi32, #tpu.memory_space<vmem>>) semaphore(%arg15 : memref<!tpu.dma_semaphore, #tpu.memory_space<semaphore_mem>>)
    } else {
    }
    %dma_wait3A_77 = arith.constant 0 : i32
    %dma_wait3A_78 = tpu.memref_slice %arg6[%add3A_67, %dma_wait3A_77] : memref<4x128xi32, #tpu.memory_space<vmem>> -> memref<1x128xi32, #tpu.memory_space<vmem>>
    %dma_wait3A_79 = tpu.memref_squeeze %dma_wait3A_78 : memref<1x128xi32, #tpu.memory_space<vmem>> -> memref<128xi32, #tpu.memory_space<vmem>>
    %dma_wait3A_80 = arith.constant 0 : i32
    %dma_wait3A_81 = arith.constant 0 : i32
    %dma_wait3A_82 = tpu.memref_slice %arg2[%dma_wait3A_80, %dma_wait3A_81] : memref<1024x128xf32, #tpu.memory_space<hbm>> -> memref<1024x128xf32, #tpu.memory_space<hbm>>
    tpu.wait_indirect_dma semaphore(%arg16 : memref<!tpu.dma_semaphore, #tpu.memory_space<semaphore_mem>>) src(%dma_wait3A_82 : memref<1024x128xf32, #tpu.memory_space<hbm>>) dst(%arg10 : memref<128x128xf32, #tpu.memory_space<vmem>>)
    "tpu.region"() ({
      %run_scoped3A = tpu.sem_alloc : memref<!tpu.dma_semaphore, #tpu.memory_space<semaphore_mem>>
      %dma_start3A_109 = arith.constant 0 : i32
      %dma_start3A_110 = tpu.memref_slice %arg7[%add3A_67, %dma_start3A_109] : memref<4x128xi32, #tpu.memory_space<vmem>> -> memref<1x128xi32, #tpu.memory_space<vmem>>
      %dma_start3A_111 = tpu.memref_squeeze %dma_start3A_110 : memref<1x128xi32, #tpu.memory_space<vmem>> -> memref<128xi32, #tpu.memory_space<vmem>>
      %dma_start3A_112 = arith.constant 0 : i32
      %dma_start3A_113 = arith.constant 0 : i32
      %dma_start3A_114 = tpu.memref_slice %arg13[%dma_start3A_112, %dma_start3A_113] : memref<1024x128xf32, #tpu.memory_space<vmem_shared>> -> memref<1024x128xf32, #tpu.memory_space<vmem_shared>>
      tpu.enqueue_indirect_dma source(%arg10 : memref<128x128xf32, #tpu.memory_space<vmem>>) target(%dma_start3A_114 : memref<1024x128xf32, #tpu.memory_space<vmem_shared>>) offsets(%dma_start3A_111 : memref<128xi32, #tpu.memory_space<vmem>>) semaphore(%run_scoped3A : memref<!tpu.dma_semaphore, #tpu.memory_space<semaphore_mem>>) {add = true}
      %dma_wait3A_115 = arith.constant 0 : i32
      %dma_wait3A_116 = tpu.memref_slice %arg7[%add3A_67, %dma_wait3A_115] : memref<4x128xi32, #tpu.memory_space<vmem>> -> memref<1x128xi32, #tpu.memory_space<vmem>>
      %dma_wait3A_117 = tpu.memref_squeeze %dma_wait3A_116 : memref<1x128xi32, #tpu.memory_space<vmem>> -> memref<128xi32, #tpu.memory_space<vmem>>
      %dma_wait3A_118 = arith.constant 0 : i32
      %dma_wait3A_119 = arith.constant 0 : i32
      %dma_wait3A_120 = tpu.memref_slice %arg13[%dma_wait3A_118, %dma_wait3A_119] : memref<1024x128xf32, #tpu.memory_space<vmem_shared>> -> memref<1024x128xf32, #tpu.memory_space<vmem_shared>>
      tpu.wait_indirect_dma semaphore(%run_scoped3A : memref<!tpu.dma_semaphore, #tpu.memory_space<semaphore_mem>>) src(%arg10 : memref<128x128xf32, #tpu.memory_space<vmem>>) dst(%dma_wait3A_120 : memref<1024x128xf32, #tpu.memory_space<vmem_shared>>)
      tpu.yield
    }) : () -> ()
    %mul3A_83 = arith.constant 4 : i32
    %mul3A_84 = arith.muli %scan3A_30, %mul3A_83 : i32
    %add3A_85 = arith.constant 3 : i32
    %add3A_86 = arith.addi %mul3A_84, %add3A_85 : i32
    %add3A_87 = arith.constant 4 : i32
    %add3A_88 = arith.addi %add3A_86, %add3A_87 : i32
    %sub3A_89 = arith.constant 1 : i32
    %sub3A_90 = arith.subi %add3A_88, %sub3A_89 : i32
    %le3A_91 = arith.constant 3 : i32
    %le3A_92 = arith.cmpi sle, %sub3A_90, %le3A_91 : i32
    %convert_element_type3A_93 = arith.extui %le3A_92 : i1 to i32
    %cond3A_94 = arith.constant 0 : i32
    %cond3A_95 = arith.cmpi ne, %convert_element_type3A_93, %cond3A_94 : i32
    scf.if %cond3A_95 {
      %dma_start3A_109 = arith.constant 0 : i32
      %dma_start3A_110 = tpu.memref_slice %arg6[%sub3A_90, %dma_start3A_109] : memref<4x128xi32, #tpu.memory_space<vmem>> -> memref<1x128xi32, #tpu.memory_space<vmem>>
      %dma_start3A_111 = tpu.memref_squeeze %dma_start3A_110 : memref<1x128xi32, #tpu.memory_space<vmem>> -> memref<128xi32, #tpu.memory_space<vmem>>
      %dma_start3A_112 = arith.constant 0 : i32
      %dma_start3A_113 = arith.constant 0 : i32
      %dma_start3A_114 = tpu.memref_slice %arg2[%dma_start3A_112, %dma_start3A_113] : memref<1024x128xf32, #tpu.memory_space<hbm>> -> memref<1024x128xf32, #tpu.memory_space<hbm>>
      tpu.enqueue_indirect_dma source(%dma_start3A_114 : memref<1024x128xf32, #tpu.memory_space<hbm>>) target(%arg10 : memref<128x128xf32, #tpu.memory_space<vmem>>) offsets(%dma_start3A_111 : memref<128xi32, #tpu.memory_space<vmem>>) semaphore(%arg16 : memref<!tpu.dma_semaphore, #tpu.memory_space<semaphore_mem>>)
    } else {
    }
    %dma_wait3A_96 = arith.constant 0 : i32
    %dma_wait3A_97 = tpu.memref_slice %arg6[%add3A_86, %dma_wait3A_96] : memref<4x128xi32, #tpu.memory_space<vmem>> -> memref<1x128xi32, #tpu.memory_space<vmem>>
    %dma_wait3A_98 = tpu.memref_squeeze %dma_wait3A_97 : memref<1x128xi32, #tpu.memory_space<vmem>> -> memref<128xi32, #tpu.memory_space<vmem>>
    %dma_wait3A_99 = arith.constant 0 : i32
    %dma_wait3A_100 = arith.constant 0 : i32
    %dma_wait3A_101 = tpu.memref_slice %arg2[%dma_wait3A_99, %dma_wait3A_100] : memref<1024x128xf32, #tpu.memory_space<hbm>> -> memref<1024x128xf32, #tpu.memory_space<hbm>>
    tpu.wait_indirect_dma semaphore(%arg17 : memref<!tpu.dma_semaphore, #tpu.memory_space<semaphore_mem>>) src(%dma_wait3A_101 : memref<1024x128xf32, #tpu.memory_space<hbm>>) dst(%arg11 : memref<128x128xf32, #tpu.memory_space<vmem>>)
    "tpu.region"() ({
      %run_scoped3A = tpu.sem_alloc : memref<!tpu.dma_semaphore, #tpu.memory_space<semaphore_mem>>
      %dma_start3A_109 = arith.constant 0 : i32
      %dma_start3A_110 = tpu.memref_slice %arg7[%add3A_86, %dma_start3A_109] : memref<4x128xi32, #tpu.memory_space<vmem>> -> memref<1x128xi32, #tpu.memory_space<vmem>>
      %dma_start3A_111 = tpu.memref_squeeze %dma_start3A_110 : memref<1x128xi32, #tpu.memory_space<vmem>> -> memref<128xi32, #tpu.memory_space<vmem>>
      %dma_start3A_112 = arith.constant 0 : i32
      %dma_start3A_113 = arith.constant 0 : i32
      %dma_start3A_114 = tpu.memref_slice %arg13[%dma_start3A_112, %dma_start3A_113] : memref<1024x128xf32, #tpu.memory_space<vmem_shared>> -> memref<1024x128xf32, #tpu.memory_space<vmem_shared>>
      tpu.enqueue_indirect_dma source(%arg11 : memref<128x128xf32, #tpu.memory_space<vmem>>) target(%dma_start3A_114 : memref<1024x128xf32, #tpu.memory_space<vmem_shared>>) offsets(%dma_start3A_111 : memref<128xi32, #tpu.memory_space<vmem>>) semaphore(%run_scoped3A : memref<!tpu.dma_semaphore, #tpu.memory_space<semaphore_mem>>) {add = true}
      %dma_wait3A_115 = arith.constant 0 : i32
      %dma_wait3A_116 = tpu.memref_slice %arg7[%add3A_86, %dma_wait3A_115] : memref<4x128xi32, #tpu.memory_space<vmem>> -> memref<1x128xi32, #tpu.memory_space<vmem>>
      %dma_wait3A_117 = tpu.memref_squeeze %dma_wait3A_116 : memref<1x128xi32, #tpu.memory_space<vmem>> -> memref<128xi32, #tpu.memory_space<vmem>>
      %dma_wait3A_118 = arith.constant 0 : i32
      %dma_wait3A_119 = arith.constant 0 : i32
      %dma_wait3A_120 = tpu.memref_slice %arg13[%dma_wait3A_118, %dma_wait3A_119] : memref<1024x128xf32, #tpu.memory_space<vmem_shared>> -> memref<1024x128xf32, #tpu.memory_space<vmem_shared>>
      tpu.wait_indirect_dma semaphore(%run_scoped3A : memref<!tpu.dma_semaphore, #tpu.memory_space<semaphore_mem>>) src(%arg11 : memref<128x128xf32, #tpu.memory_space<vmem>>) dst(%dma_wait3A_120 : memref<1024x128xf32, #tpu.memory_space<vmem_shared>>)
      tpu.yield
    }) : () -> ()
    %scan3A_102 = arith.constant 0 : i32
    %scan3A_103 = arith.constant 1 : i32
    %barrier3A_104 = arith.constant 0 : index
    tpu.barrier barrier_id(%barrier3A_104)
    %mul3A_105 = arith.constant 64 : i32
    %mul3A_106 = arith.muli %arg1, %mul3A_105 : i32
    %mul3A_107 = arith.constant 64 : i32
    %mul3A_108 = arith.muli %arg1, %mul3A_107 : i32
    "tpu.region"() ({
      %run_scoped3A = tpu.sem_alloc : memref<!tpu.dma_semaphore, #tpu.memory_space<semaphore_mem>>
      %dma_start3A_109 = arith.constant 0 : i32
      %dma_start3A_110 = tpu.memref_slice %arg5[%arg0, %mul3A_108, %dma_start3A_109] : memref<2x1024x128xf32, #tpu.memory_space<hbm>> -> memref<1x64x128xf32, #tpu.memory_space<hbm>>
      %dma_start3A_111 = tpu.memref_squeeze %dma_start3A_110 : memref<1x64x128xf32, #tpu.memory_space<hbm>> -> memref<64x128xf32, #tpu.memory_space<hbm>>
      %dma_start3A_112 = arith.constant 0 : i32
      %dma_start3A_113 = tpu.memref_slice %arg13[%mul3A_106, %dma_start3A_112] : memref<1024x128xf32, #tpu.memory_space<vmem_shared>> -> memref<64x128xf32, #tpu.memory_space<vmem_shared>>
      tpu.enqueue_dma source(%dma_start3A_113 : memref<64x128xf32, #tpu.memory_space<vmem_shared>>) target(%dma_start3A_111 : memref<64x128xf32, #tpu.memory_space<hbm>>) target_semaphore(%run_scoped3A : memref<!tpu.dma_semaphore, #tpu.memory_space<semaphore_mem>>)
      %dma_wait3A_114 = arith.constant 0 : i32
      %dma_wait3A_115 = tpu.memref_slice %arg5[%arg0, %mul3A_108, %dma_wait3A_114] : memref<2x1024x128xf32, #tpu.memory_space<hbm>> -> memref<1x64x128xf32, #tpu.memory_space<hbm>>
      %dma_wait3A_116 = tpu.memref_squeeze %dma_wait3A_115 : memref<1x64x128xf32, #tpu.memory_space<hbm>> -> memref<64x128xf32, #tpu.memory_space<hbm>>
      %dma_wait3A_117 = arith.constant 0 : i32
      %dma_wait3A_118 = tpu.memref_slice %arg13[%mul3A_106, %dma_wait3A_117] : memref<1024x128xf32, #tpu.memory_space<vmem_shared>> -> memref<64x128xf32, #tpu.memory_space<vmem_shared>>
      tpu.wait_dma2 semaphore(%run_scoped3A : memref<!tpu.dma_semaphore, #tpu.memory_space<semaphore_mem>>) src(%dma_wait3A_118 : memref<64x128xf32, #tpu.memory_space<vmem_shared>>) dst(%dma_wait3A_116 : memref<64x128xf32, #tpu.memory_space<hbm>>)
      tpu.yield
    }) : () -> ()
    return
  }
}

#map = affine_map<(d0, d1) -> (0, 0)>
#map1 = affine_map<(d0, d1) -> (0, 0, 0)>
module attributes {stable_mosaic.version = 14 : i64} {
  func.func @k(%arg0: i32, %arg1: i32, %arg2: memref<10240x128xf32, #tpu.memory_space<hbm>>, %arg3: memref<32x40x128xi32, #tpu.memory_space<hbm>>, %arg4: memref<32x40x128xi32, #tpu.memory_space<hbm>>, %arg5: memref<2x1024x128xf32, #tpu.memory_space<hbm>>, %arg6: memref<40x128xi32, #tpu.memory_space<vmem>>, %arg7: memref<40x128xi32, #tpu.memory_space<vmem>>, %arg8: memref<128x128xf32, #tpu.memory_space<vmem>>, %arg9: memref<128x128xf32, #tpu.memory_space<vmem>>, %arg10: memref<128x128xf32, #tpu.memory_space<vmem>>, %arg11: memref<128x128xf32, #tpu.memory_space<vmem>>, %arg12: memref<64x128xf32, #tpu.memory_space<vmem>>, %arg13: memref<1088x128xf32, #tpu.memory_space<vmem_shared>>, %arg14: memref<!tpu.dma_semaphore, #tpu.memory_space<semaphore_mem>>, %arg15: memref<!tpu.dma_semaphore, #tpu.memory_space<semaphore_mem>>, %arg16: memref<!tpu.dma_semaphore, #tpu.memory_space<semaphore_mem>>, %arg17: memref<!tpu.dma_semaphore, #tpu.memory_space<semaphore_mem>>) attributes {dimension_semantics = [#tpu.dimension_semantics<core_parallel>, #tpu.dimension_semantics<subcore_parallel>], iteration_bounds = array<i64: 2, 16>, scalar_prefetch = 0 : i64, scratch_operands = 12 : i64, tpu.core_type = #tpu.core_type<sc_vector_subcore>, window_params = [{transform_indices = #map}, {transform_indices = #map1}, {transform_indices = #map1}, {transform_indices = #map1}]} {
    %mul3A = arith.constant 2 : i32
    %mul3A_0 = arith.muli %arg1, %mul3A : i32
    %add3A = arith.addi %mul3A_0, %arg0 : i32
    %scan3A = arith.constant 0 : i32
    %scan3A_1 = arith.constant 0 : i32
    %scan3A_2 = arith.constant 64 : i32
    %scan3A_3 = arith.addi %scan3A_1, %scan3A_2 : i32
    %scan3A_4 = arith.constant 1 : i32
    %scan3A_5 = scf.for %scan3A_41 = %scan3A_1 to %scan3A_3 step %scan3A_4 iter_args(%scan3A_42 = %scan3A) -> (i32)  : i32 {
      %broadcast_in_dim3A = arith.constant 0.000000e+00 : f32
      %broadcast_in_dim3A_43 = vector.broadcast %broadcast_in_dim3A : f32 to vector<16xf32>
      %swap3A = arith.index_cast %scan3A_41 : i32 to index
      %swap3A_44 = arith.constant 0 : index
      %swap3A_45 = tpu.vector_load %arg12[%swap3A, %swap3A_44] {strides = array<i32>} : memref<64x128xf32, #tpu.memory_space<vmem>>, vector<1x16xf32>,
      %swap3A_46 = vector.shape_cast %swap3A_45 : vector<1x16xf32> to vector<16xf32>
      %swap3A_47 = vector.shape_cast %broadcast_in_dim3A_43 : vector<16xf32> to vector<1x16xf32>
      tpu.vector_store %arg12[%swap3A, %swap3A_44], %swap3A_47 {strides = array<i32>} : memref<64x128xf32, #tpu.memory_space<vmem>>, vector<1x16xf32>,
      %broadcast_in_dim3A_48 = arith.constant 0.000000e+00 : f32
      %broadcast_in_dim3A_49 = vector.broadcast %broadcast_in_dim3A_48 : f32 to vector<16xf32>
      %swap3A_50 = arith.index_cast %scan3A_41 : i32 to index
      %swap3A_51 = arith.constant 16 : index
      %swap3A_52 = tpu.vector_load %arg12[%swap3A_50, %swap3A_51] {strides = array<i32>} : memref<64x128xf32, #tpu.memory_space<vmem>>, vector<1x16xf32>,
      %swap3A_53 = vector.shape_cast %swap3A_52 : vector<1x16xf32> to vector<16xf32>
      %swap3A_54 = vector.shape_cast %broadcast_in_dim3A_49 : vector<16xf32> to vector<1x16xf32>
      tpu.vector_store %arg12[%swap3A_50, %swap3A_51], %swap3A_54 {strides = array<i32>} : memref<64x128xf32, #tpu.memory_space<vmem>>, vector<1x16xf32>,
      %broadcast_in_dim3A_55 = arith.constant 0.000000e+00 : f32
      %broadcast_in_dim3A_56 = vector.broadcast %broadcast_in_dim3A_55 : f32 to vector<16xf32>
      %swap3A_57 = arith.index_cast %scan3A_41 : i32 to index
      %swap3A_58 = arith.constant 32 : index
      %swap3A_59 = tpu.vector_load %arg12[%swap3A_57, %swap3A_58] {strides = array<i32>} : memref<64x128xf32, #tpu.memory_space<vmem>>, vector<1x16xf32>,
      %swap3A_60 = vector.shape_cast %swap3A_59 : vector<1x16xf32> to vector<16xf32>
      %swap3A_61 = vector.shape_cast %broadcast_in_dim3A_56 : vector<16xf32> to vector<1x16xf32>
      tpu.vector_store %arg12[%swap3A_57, %swap3A_58], %swap3A_61 {strides = array<i32>} : memref<64x128xf32, #tpu.memory_space<vmem>>, vector<1x16xf32>,
      %broadcast_in_dim3A_62 = arith.constant 0.000000e+00 : f32
      %broadcast_in_dim3A_63 = vector.broadcast %broadcast_in_dim3A_62 : f32 to vector<16xf32>
      %swap3A_64 = arith.index_cast %scan3A_41 : i32 to index
      %swap3A_65 = arith.constant 48 : index
      %swap3A_66 = tpu.vector_load %arg12[%swap3A_64, %swap3A_65] {strides = array<i32>} : memref<64x128xf32, #tpu.memory_space<vmem>>, vector<1x16xf32>,
      %swap3A_67 = vector.shape_cast %swap3A_66 : vector<1x16xf32> to vector<16xf32>
      %swap3A_68 = vector.shape_cast %broadcast_in_dim3A_63 : vector<16xf32> to vector<1x16xf32>
      tpu.vector_store %arg12[%swap3A_64, %swap3A_65], %swap3A_68 {strides = array<i32>} : memref<64x128xf32, #tpu.memory_space<vmem>>, vector<1x16xf32>,
      %broadcast_in_dim3A_69 = arith.constant 0.000000e+00 : f32
      %broadcast_in_dim3A_70 = vector.broadcast %broadcast_in_dim3A_69 : f32 to vector<16xf32>
      %swap3A_71 = arith.index_cast %scan3A_41 : i32 to index
      %swap3A_72 = arith.constant 64 : index
      %swap3A_73 = tpu.vector_load %arg12[%swap3A_71, %swap3A_72] {strides = array<i32>} : memref<64x128xf32, #tpu.memory_space<vmem>>, vector<1x16xf32>,
      %swap3A_74 = vector.shape_cast %swap3A_73 : vector<1x16xf32> to vector<16xf32>
      %swap3A_75 = vector.shape_cast %broadcast_in_dim3A_70 : vector<16xf32> to vector<1x16xf32>
      tpu.vector_store %arg12[%swap3A_71, %swap3A_72], %swap3A_75 {strides = array<i32>} : memref<64x128xf32, #tpu.memory_space<vmem>>, vector<1x16xf32>,
      %broadcast_in_dim3A_76 = arith.constant 0.000000e+00 : f32
      %broadcast_in_dim3A_77 = vector.broadcast %broadcast_in_dim3A_76 : f32 to vector<16xf32>
      %swap3A_78 = arith.index_cast %scan3A_41 : i32 to index
      %swap3A_79 = arith.constant 80 : index
      %swap3A_80 = tpu.vector_load %arg12[%swap3A_78, %swap3A_79] {strides = array<i32>} : memref<64x128xf32, #tpu.memory_space<vmem>>, vector<1x16xf32>,
      %swap3A_81 = vector.shape_cast %swap3A_80 : vector<1x16xf32> to vector<16xf32>
      %swap3A_82 = vector.shape_cast %broadcast_in_dim3A_77 : vector<16xf32> to vector<1x16xf32>
      tpu.vector_store %arg12[%swap3A_78, %swap3A_79], %swap3A_82 {strides = array<i32>} : memref<64x128xf32, #tpu.memory_space<vmem>>, vector<1x16xf32>,
      %broadcast_in_dim3A_83 = arith.constant 0.000000e+00 : f32
      %broadcast_in_dim3A_84 = vector.broadcast %broadcast_in_dim3A_83 : f32 to vector<16xf32>
      %swap3A_85 = arith.index_cast %scan3A_41 : i32 to index
      %swap3A_86 = arith.constant 96 : index
      %swap3A_87 = tpu.vector_load %arg12[%swap3A_85, %swap3A_86] {strides = array<i32>} : memref<64x128xf32, #tpu.memory_space<vmem>>, vector<1x16xf32>,
      %swap3A_88 = vector.shape_cast %swap3A_87 : vector<1x16xf32> to vector<16xf32>
      %swap3A_89 = vector.shape_cast %broadcast_in_dim3A_84 : vector<16xf32> to vector<1x16xf32>
      tpu.vector_store %arg12[%swap3A_85, %swap3A_86], %swap3A_89 {strides = array<i32>} : memref<64x128xf32, #tpu.memory_space<vmem>>, vector<1x16xf32>,
      %broadcast_in_dim3A_90 = arith.constant 0.000000e+00 : f32
      %broadcast_in_dim3A_91 = vector.broadcast %broadcast_in_dim3A_90 : f32 to vector<16xf32>
      %swap3A_92 = arith.index_cast %scan3A_41 : i32 to index
      %swap3A_93 = arith.constant 112 : index
      %swap3A_94 = tpu.vector_load %arg12[%swap3A_92, %swap3A_93] {strides = array<i32>} : memref<64x128xf32, #tpu.memory_space<vmem>>, vector<1x16xf32>,
      %swap3A_95 = vector.shape_cast %swap3A_94 : vector<1x16xf32> to vector<16xf32>
      %swap3A_96 = vector.shape_cast %broadcast_in_dim3A_91 : vector<16xf32> to vector<1x16xf32>
      tpu.vector_store %arg12[%swap3A_92, %swap3A_93], %swap3A_96 {strides = array<i32>} : memref<64x128xf32, #tpu.memory_space<vmem>>, vector<1x16xf32>,
      %scan3A_97 = arith.constant 0 : i32
      scf.yield %scan3A_97 : i32
    }
    %scan3A_6 = arith.constant 64 : i32
    %mul3A_7 = arith.constant 64 : i32
    %mul3A_8 = arith.muli %arg1, %mul3A_7 : i32
    "tpu.region"() ({
      %run_scoped3A = tpu.sem_alloc : memref<!tpu.dma_semaphore, #tpu.memory_space<semaphore_mem>>
      %dma_start3A_41 = arith.constant 0 : i32
      %dma_start3A_42 = tpu.memref_slice %arg13[%mul3A_8, %dma_start3A_41] : memref<1088x128xf32, #tpu.memory_space<vmem_shared>> -> memref<64x128xf32, #tpu.memory_space<vmem_shared>>
      %dma_start3A_43 = arith.constant 0 : i32
      %dma_start3A_44 = tpu.memref_slice %arg13[%mul3A_8, %dma_start3A_43] : memref<1088x128xf32, #tpu.memory_space<vmem_shared>> -> memref<64x128xf32, #tpu.memory_space<vmem_shared>>
      tpu.enqueue_dma source(%arg12 : memref<64x128xf32, #tpu.memory_space<vmem>>) target(%dma_start3A_44 : memref<64x128xf32, #tpu.memory_space<vmem_shared>>) target_semaphore(%run_scoped3A : memref<!tpu.dma_semaphore, #tpu.memory_space<semaphore_mem>>)
      %dma_wait3A = arith.constant 0 : i32
      %dma_wait3A_45 = tpu.memref_slice %arg13[%mul3A_8, %dma_wait3A] : memref<1088x128xf32, #tpu.memory_space<vmem_shared>> -> memref<64x128xf32, #tpu.memory_space<vmem_shared>>
      %dma_wait3A_46 = arith.constant 0 : i32
      %dma_wait3A_47 = tpu.memref_slice %arg13[%mul3A_8, %dma_wait3A_46] : memref<1088x128xf32, #tpu.memory_space<vmem_shared>> -> memref<64x128xf32, #tpu.memory_space<vmem_shared>>
      tpu.wait_dma2 semaphore(%run_scoped3A : memref<!tpu.dma_semaphore, #tpu.memory_space<semaphore_mem>>) src(%arg12 : memref<64x128xf32, #tpu.memory_space<vmem>>) dst(%dma_wait3A_47 : memref<64x128xf32, #tpu.memory_space<vmem_shared>>)
      tpu.yield
    }) : () -> ()
    "tpu.region"() ({
      %run_scoped3A = tpu.sem_alloc : memref<!tpu.dma_semaphore, #tpu.memory_space<semaphore_mem>>
      %dma_start3A_41 = arith.constant 0 : i32
      %dma_start3A_42 = arith.constant 0 : i32
      %dma_start3A_43 = tpu.memref_slice %arg3[%add3A, %dma_start3A_41, %dma_start3A_42] : memref<32x40x128xi32, #tpu.memory_space<hbm>> -> memref<1x40x128xi32, #tpu.memory_space<hbm>>
      %dma_start3A_44 = tpu.memref_squeeze %dma_start3A_43 : memref<1x40x128xi32, #tpu.memory_space<hbm>> -> memref<40x128xi32, #tpu.memory_space<hbm>>
      %dma_start3A_45 = arith.constant 0 : i32
      %dma_start3A_46 = arith.constant 0 : i32
      %dma_start3A_47 = tpu.memref_slice %arg3[%add3A, %dma_start3A_45, %dma_start3A_46] : memref<32x40x128xi32, #tpu.memory_space<hbm>> -> memref<1x40x128xi32, #tpu.memory_space<hbm>>
      %dma_start3A_48 = tpu.memref_squeeze %dma_start3A_47 : memref<1x40x128xi32, #tpu.memory_space<hbm>> -> memref<40x128xi32, #tpu.memory_space<hbm>>
      tpu.enqueue_dma source(%dma_start3A_48 : memref<40x128xi32, #tpu.memory_space<hbm>>) target(%arg6 : memref<40x128xi32, #tpu.memory_space<vmem>>) target_semaphore(%run_scoped3A : memref<!tpu.dma_semaphore, #tpu.memory_space<semaphore_mem>>)
      %dma_wait3A = arith.constant 0 : i32
      %dma_wait3A_49 = arith.constant 0 : i32
      %dma_wait3A_50 = tpu.memref_slice %arg3[%add3A, %dma_wait3A, %dma_wait3A_49] : memref<32x40x128xi32, #tpu.memory_space<hbm>> -> memref<1x40x128xi32, #tpu.memory_space<hbm>>
      %dma_wait3A_51 = tpu.memref_squeeze %dma_wait3A_50 : memref<1x40x128xi32, #tpu.memory_space<hbm>> -> memref<40x128xi32, #tpu.memory_space<hbm>>
      %dma_wait3A_52 = arith.constant 0 : i32
      %dma_wait3A_53 = arith.constant 0 : i32
      %dma_wait3A_54 = tpu.memref_slice %arg3[%add3A, %dma_wait3A_52, %dma_wait3A_53] : memref<32x40x128xi32, #tpu.memory_space<hbm>> -> memref<1x40x128xi32, #tpu.memory_space<hbm>>
      %dma_wait3A_55 = tpu.memref_squeeze %dma_wait3A_54 : memref<1x40x128xi32, #tpu.memory_space<hbm>> -> memref<40x128xi32, #tpu.memory_space<hbm>>
      tpu.wait_dma2 semaphore(%run_scoped3A : memref<!tpu.dma_semaphore, #tpu.memory_space<semaphore_mem>>) src(%dma_wait3A_55 : memref<40x128xi32, #tpu.memory_space<hbm>>) dst(%arg6 : memref<40x128xi32, #tpu.memory_space<vmem>>)
      tpu.yield
    }) : () -> ()
    "tpu.region"() ({
      %run_scoped3A = tpu.sem_alloc : memref<!tpu.dma_semaphore, #tpu.memory_space<semaphore_mem>>
      %dma_start3A_41 = arith.constant 0 : i32
      %dma_start3A_42 = arith.constant 0 : i32
      %dma_start3A_43 = tpu.memref_slice %arg4[%add3A, %dma_start3A_41, %dma_start3A_42] : memref<32x40x128xi32, #tpu.memory_space<hbm>> -> memref<1x40x128xi32, #tpu.memory_space<hbm>>
      %dma_start3A_44 = tpu.memref_squeeze %dma_start3A_43 : memref<1x40x128xi32, #tpu.memory_space<hbm>> -> memref<40x128xi32, #tpu.memory_space<hbm>>
      %dma_start3A_45 = arith.constant 0 : i32
      %dma_start3A_46 = arith.constant 0 : i32
      %dma_start3A_47 = tpu.memref_slice %arg4[%add3A, %dma_start3A_45, %dma_start3A_46] : memref<32x40x128xi32, #tpu.memory_space<hbm>> -> memref<1x40x128xi32, #tpu.memory_space<hbm>>
      %dma_start3A_48 = tpu.memref_squeeze %dma_start3A_47 : memref<1x40x128xi32, #tpu.memory_space<hbm>> -> memref<40x128xi32, #tpu.memory_space<hbm>>
      tpu.enqueue_dma source(%dma_start3A_48 : memref<40x128xi32, #tpu.memory_space<hbm>>) target(%arg7 : memref<40x128xi32, #tpu.memory_space<vmem>>) target_semaphore(%run_scoped3A : memref<!tpu.dma_semaphore, #tpu.memory_space<semaphore_mem>>)
      %dma_wait3A = arith.constant 0 : i32
      %dma_wait3A_49 = arith.constant 0 : i32
      %dma_wait3A_50 = tpu.memref_slice %arg4[%add3A, %dma_wait3A, %dma_wait3A_49] : memref<32x40x128xi32, #tpu.memory_space<hbm>> -> memref<1x40x128xi32, #tpu.memory_space<hbm>>
      %dma_wait3A_51 = tpu.memref_squeeze %dma_wait3A_50 : memref<1x40x128xi32, #tpu.memory_space<hbm>> -> memref<40x128xi32, #tpu.memory_space<hbm>>
      %dma_wait3A_52 = arith.constant 0 : i32
      %dma_wait3A_53 = arith.constant 0 : i32
      %dma_wait3A_54 = tpu.memref_slice %arg4[%add3A, %dma_wait3A_52, %dma_wait3A_53] : memref<32x40x128xi32, #tpu.memory_space<hbm>> -> memref<1x40x128xi32, #tpu.memory_space<hbm>>
      %dma_wait3A_55 = tpu.memref_squeeze %dma_wait3A_54 : memref<1x40x128xi32, #tpu.memory_space<hbm>> -> memref<40x128xi32, #tpu.memory_space<hbm>>
      tpu.wait_dma2 semaphore(%run_scoped3A : memref<!tpu.dma_semaphore, #tpu.memory_space<semaphore_mem>>) src(%dma_wait3A_55 : memref<40x128xi32, #tpu.memory_space<hbm>>) dst(%arg7 : memref<40x128xi32, #tpu.memory_space<vmem>>)
      tpu.yield
    }) : () -> ()
    %barrier3A = arith.constant 0 : index
    tpu.barrier barrier_id(%barrier3A)
    %dma_start3A = arith.constant 0 : i32
    %dma_start3A_9 = arith.constant 0 : i32
    %dma_start3A_10 = tpu.memref_slice %arg6[%dma_start3A, %dma_start3A_9] : memref<40x128xi32, #tpu.memory_space<vmem>> -> memref<1x128xi32, #tpu.memory_space<vmem>>
    %dma_start3A_11 = tpu.memref_squeeze %dma_start3A_10 : memref<1x128xi32, #tpu.memory_space<vmem>> -> memref<128xi32, #tpu.memory_space<vmem>>
    %dma_start3A_12 = arith.constant 0 : i32
    %dma_start3A_13 = arith.constant 0 : i32
    %dma_start3A_14 = tpu.memref_slice %arg2[%dma_start3A_12, %dma_start3A_13] : memref<10240x128xf32, #tpu.memory_space<hbm>> -> memref<10240x128xf32, #tpu.memory_space<hbm>>
    tpu.enqueue_indirect_dma source(%dma_start3A_14 : memref<10240x128xf32, #tpu.memory_space<hbm>>) target(%arg8 : memref<128x128xf32, #tpu.memory_space<vmem>>) offsets(%dma_start3A_11 : memref<128xi32, #tpu.memory_space<vmem>>) semaphore(%arg14 : memref<!tpu.dma_semaphore, #tpu.memory_space<semaphore_mem>>)
    %dma_start3A_15 = arith.constant 1 : i32
    %dma_start3A_16 = arith.constant 0 : i32
    %dma_start3A_17 = tpu.memref_slice %arg6[%dma_start3A_15, %dma_start3A_16] : memref<40x128xi32, #tpu.memory_space<vmem>> -> memref<1x128xi32, #tpu.memory_space<vmem>>
    %dma_start3A_18 = tpu.memref_squeeze %dma_start3A_17 : memref<1x128xi32, #tpu.memory_space<vmem>> -> memref<128xi32, #tpu.memory_space<vmem>>
    %dma_start3A_19 = arith.constant 0 : i32
    %dma_start3A_20 = arith.constant 0 : i32
    %dma_start3A_21 = tpu.memref_slice %arg2[%dma_start3A_19, %dma_start3A_20] : memref<10240x128xf32, #tpu.memory_space<hbm>> -> memref<10240x128xf32, #tpu.memory_space<hbm>>
    tpu.enqueue_indirect_dma source(%dma_start3A_21 : memref<10240x128xf32, #tpu.memory_space<hbm>>) target(%arg9 : memref<128x128xf32, #tpu.memory_space<vmem>>) offsets(%dma_start3A_18 : memref<128xi32, #tpu.memory_space<vmem>>) semaphore(%arg15 : memref<!tpu.dma_semaphore, #tpu.memory_space<semaphore_mem>>)
    %dma_start3A_22 = arith.constant 2 : i32
    %dma_start3A_23 = arith.constant 0 : i32
    %dma_start3A_24 = tpu.memref_slice %arg6[%dma_start3A_22, %dma_start3A_23] : memref<40x128xi32, #tpu.memory_space<vmem>> -> memref<1x128xi32, #tpu.memory_space<vmem>>
    %dma_start3A_25 = tpu.memref_squeeze %dma_start3A_24 : memref<1x128xi32, #tpu.memory_space<vmem>> -> memref<128xi32, #tpu.memory_space<vmem>>
    %dma_start3A_26 = arith.constant 0 : i32
    %dma_start3A_27 = arith.constant 0 : i32
    %dma_start3A_28 = tpu.memref_slice %arg2[%dma_start3A_26, %dma_start3A_27] : memref<10240x128xf32, #tpu.memory_space<hbm>> -> memref<10240x128xf32, #tpu.memory_space<hbm>>
    tpu.enqueue_indirect_dma source(%dma_start3A_28 : memref<10240x128xf32, #tpu.memory_space<hbm>>) target(%arg10 : memref<128x128xf32, #tpu.memory_space<vmem>>) offsets(%dma_start3A_25 : memref<128xi32, #tpu.memory_space<vmem>>) semaphore(%arg16 : memref<!tpu.dma_semaphore, #tpu.memory_space<semaphore_mem>>)
    %scan3A_29 = arith.constant 0 : i32
    %scan3A_30 = arith.constant 0 : i32
    %scan3A_31 = arith.constant 10 : i32
    %scan3A_32 = arith.addi %scan3A_30, %scan3A_31 : i32
    %scan3A_33 = arith.constant 1 : i32
    %scan3A_34 = scf.for %scan3A_41 = %scan3A_30 to %scan3A_32 step %scan3A_33 iter_args(%scan3A_42 = %scan3A_29) -> (i32)  : i32 {
      %mul3A_43 = arith.constant 4 : i32
      %mul3A_44 = arith.muli %scan3A_41, %mul3A_43 : i32
      %add3A_45 = arith.constant 0 : i32
      %add3A_46 = arith.addi %mul3A_44, %add3A_45 : i32
      %add3A_47 = arith.constant 4 : i32
      %add3A_48 = arith.addi %add3A_46, %add3A_47 : i32
      %sub3A = arith.constant 1 : i32
      %sub3A_49 = arith.subi %add3A_48, %sub3A : i32
      %le3A = arith.constant 39 : i32
      %le3A_50 = arith.cmpi sle, %sub3A_49, %le3A : i32
      %convert_element_type3A = arith.extui %le3A_50 : i1 to i32
      %cond3A = arith.constant 0 : i32
      %cond3A_51 = arith.cmpi ne, %convert_element_type3A, %cond3A : i32
      scf.if %cond3A_51 {
        %dma_start3A_115 = arith.constant 0 : i32
        %dma_start3A_116 = tpu.memref_slice %arg6[%sub3A_49, %dma_start3A_115] : memref<40x128xi32, #tpu.memory_space<vmem>> -> memref<1x128xi32, #tpu.memory_space<vmem>>
        %dma_start3A_117 = tpu.memref_squeeze %dma_start3A_116 : memref<1x128xi32, #tpu.memory_space<vmem>> -> memref<128xi32, #tpu.memory_space<vmem>>
        %dma_start3A_118 = arith.constant 0 : i32
        %dma_start3A_119 = arith.constant 0 : i32
        %dma_start3A_120 = tpu.memref_slice %arg2[%dma_start3A_118, %dma_start3A_119] : memref<10240x128xf32, #tpu.memory_space<hbm>> -> memref<10240x128xf32, #tpu.memory_space<hbm>>
        tpu.enqueue_indirect_dma source(%dma_start3A_120 : memref<10240x128xf32, #tpu.memory_space<hbm>>) target(%arg11 : memref<128x128xf32, #tpu.memory_space<vmem>>) offsets(%dma_start3A_117 : memref<128xi32, #tpu.memory_space<vmem>>) semaphore(%arg17 : memref<!tpu.dma_semaphore, #tpu.memory_space<semaphore_mem>>)
      } else {
      }
      %dma_wait3A = arith.constant 0 : i32
      %dma_wait3A_52 = tpu.memref_slice %arg6[%add3A_46, %dma_wait3A] : memref<40x128xi32, #tpu.memory_space<vmem>> -> memref<1x128xi32, #tpu.memory_space<vmem>>
      %dma_wait3A_53 = tpu.memref_squeeze %dma_wait3A_52 : memref<1x128xi32, #tpu.memory_space<vmem>> -> memref<128xi32, #tpu.memory_space<vmem>>
      %dma_wait3A_54 = arith.constant 0 : i32
      %dma_wait3A_55 = arith.constant 0 : i32
      %dma_wait3A_56 = tpu.memref_slice %arg2[%dma_wait3A_54, %dma_wait3A_55] : memref<10240x128xf32, #tpu.memory_space<hbm>> -> memref<10240x128xf32, #tpu.memory_space<hbm>>
      tpu.wait_indirect_dma semaphore(%arg14 : memref<!tpu.dma_semaphore, #tpu.memory_space<semaphore_mem>>) src(%dma_wait3A_56 : memref<10240x128xf32, #tpu.memory_space<hbm>>) dst(%arg8 : memref<128x128xf32, #tpu.memory_space<vmem>>)
      "tpu.region"() ({
        %run_scoped3A = tpu.sem_alloc : memref<!tpu.dma_semaphore, #tpu.memory_space<semaphore_mem>>
        %dma_start3A_115 = arith.constant 0 : i32
        %dma_start3A_116 = tpu.memref_slice %arg7[%add3A_46, %dma_start3A_115] : memref<40x128xi32, #tpu.memory_space<vmem>> -> memref<1x128xi32, #tpu.memory_space<vmem>>
        %dma_start3A_117 = tpu.memref_squeeze %dma_start3A_116 : memref<1x128xi32, #tpu.memory_space<vmem>> -> memref<128xi32, #tpu.memory_space<vmem>>
        %dma_start3A_118 = arith.constant 0 : i32
        %dma_start3A_119 = arith.constant 0 : i32
        %dma_start3A_120 = tpu.memref_slice %arg13[%dma_start3A_118, %dma_start3A_119] : memref<1088x128xf32, #tpu.memory_space<vmem_shared>> -> memref<1088x128xf32, #tpu.memory_space<vmem_shared>>
        tpu.enqueue_indirect_dma source(%arg8 : memref<128x128xf32, #tpu.memory_space<vmem>>) target(%dma_start3A_120 : memref<1088x128xf32, #tpu.memory_space<vmem_shared>>) offsets(%dma_start3A_117 : memref<128xi32, #tpu.memory_space<vmem>>) semaphore(%run_scoped3A : memref<!tpu.dma_semaphore, #tpu.memory_space<semaphore_mem>>) {add = true}
        %dma_wait3A_121 = arith.constant 0 : i32
        %dma_wait3A_122 = tpu.memref_slice %arg7[%add3A_46, %dma_wait3A_121] : memref<40x128xi32, #tpu.memory_space<vmem>> -> memref<1x128xi32, #tpu.memory_space<vmem>>
        %dma_wait3A_123 = tpu.memref_squeeze %dma_wait3A_122 : memref<1x128xi32, #tpu.memory_space<vmem>> -> memref<128xi32, #tpu.memory_space<vmem>>
        %dma_wait3A_124 = arith.constant 0 : i32
        %dma_wait3A_125 = arith.constant 0 : i32
        %dma_wait3A_126 = tpu.memref_slice %arg13[%dma_wait3A_124, %dma_wait3A_125] : memref<1088x128xf32, #tpu.memory_space<vmem_shared>> -> memref<1088x128xf32, #tpu.memory_space<vmem_shared>>
        tpu.wait_indirect_dma semaphore(%run_scoped3A : memref<!tpu.dma_semaphore, #tpu.memory_space<semaphore_mem>>) src(%arg8 : memref<128x128xf32, #tpu.memory_space<vmem>>) dst(%dma_wait3A_126 : memref<1088x128xf32, #tpu.memory_space<vmem_shared>>)
        tpu.yield
      }) : () -> ()
      %mul3A_57 = arith.constant 4 : i32
      %mul3A_58 = arith.muli %scan3A_41, %mul3A_57 : i32
      %add3A_59 = arith.constant 1 : i32
      %add3A_60 = arith.addi %mul3A_58, %add3A_59 : i32
      %add3A_61 = arith.constant 4 : i32
      %add3A_62 = arith.addi %add3A_60, %add3A_61 : i32
      %sub3A_63 = arith.constant 1 : i32
      %sub3A_64 = arith.subi %add3A_62, %sub3A_63 : i32
      %le3A_65 = arith.constant 39 : i32
      %le3A_66 = arith.cmpi sle, %sub3A_64, %le3A_65 : i32
      %convert_element_type3A_67 = arith.extui %le3A_66 : i1 to i32
      %cond3A_68 = arith.constant 0 : i32
      %cond3A_69 = arith.cmpi ne, %convert_element_type3A_67, %cond3A_68 : i32
      scf.if %cond3A_69 {
        %dma_start3A_115 = arith.constant 0 : i32
        %dma_start3A_116 = tpu.memref_slice %arg6[%sub3A_64, %dma_start3A_115] : memref<40x128xi32, #tpu.memory_space<vmem>> -> memref<1x128xi32, #tpu.memory_space<vmem>>
        %dma_start3A_117 = tpu.memref_squeeze %dma_start3A_116 : memref<1x128xi32, #tpu.memory_space<vmem>> -> memref<128xi32, #tpu.memory_space<vmem>>
        %dma_start3A_118 = arith.constant 0 : i32
        %dma_start3A_119 = arith.constant 0 : i32
        %dma_start3A_120 = tpu.memref_slice %arg2[%dma_start3A_118, %dma_start3A_119] : memref<10240x128xf32, #tpu.memory_space<hbm>> -> memref<10240x128xf32, #tpu.memory_space<hbm>>
        tpu.enqueue_indirect_dma source(%dma_start3A_120 : memref<10240x128xf32, #tpu.memory_space<hbm>>) target(%arg8 : memref<128x128xf32, #tpu.memory_space<vmem>>) offsets(%dma_start3A_117 : memref<128xi32, #tpu.memory_space<vmem>>) semaphore(%arg14 : memref<!tpu.dma_semaphore, #tpu.memory_space<semaphore_mem>>)
      } else {
      }
      %dma_wait3A_70 = arith.constant 0 : i32
      %dma_wait3A_71 = tpu.memref_slice %arg6[%add3A_60, %dma_wait3A_70] : memref<40x128xi32, #tpu.memory_space<vmem>> -> memref<1x128xi32, #tpu.memory_space<vmem>>
      %dma_wait3A_72 = tpu.memref_squeeze %dma_wait3A_71 : memref<1x128xi32, #tpu.memory_space<vmem>> -> memref<128xi32, #tpu.memory_space<vmem>>
      %dma_wait3A_73 = arith.constant 0 : i32
      %dma_wait3A_74 = arith.constant 0 : i32
      %dma_wait3A_75 = tpu.memref_slice %arg2[%dma_wait3A_73, %dma_wait3A_74] : memref<10240x128xf32, #tpu.memory_space<hbm>> -> memref<10240x128xf32, #tpu.memory_space<hbm>>
      tpu.wait_indirect_dma semaphore(%arg15 : memref<!tpu.dma_semaphore, #tpu.memory_space<semaphore_mem>>) src(%dma_wait3A_75 : memref<10240x128xf32, #tpu.memory_space<hbm>>) dst(%arg9 : memref<128x128xf32, #tpu.memory_space<vmem>>)
      "tpu.region"() ({
        %run_scoped3A = tpu.sem_alloc : memref<!tpu.dma_semaphore, #tpu.memory_space<semaphore_mem>>
        %dma_start3A_115 = arith.constant 0 : i32
        %dma_start3A_116 = tpu.memref_slice %arg7[%add3A_60, %dma_start3A_115] : memref<40x128xi32, #tpu.memory_space<vmem>> -> memref<1x128xi32, #tpu.memory_space<vmem>>
        %dma_start3A_117 = tpu.memref_squeeze %dma_start3A_116 : memref<1x128xi32, #tpu.memory_space<vmem>> -> memref<128xi32, #tpu.memory_space<vmem>>
        %dma_start3A_118 = arith.constant 0 : i32
        %dma_start3A_119 = arith.constant 0 : i32
        %dma_start3A_120 = tpu.memref_slice %arg13[%dma_start3A_118, %dma_start3A_119] : memref<1088x128xf32, #tpu.memory_space<vmem_shared>> -> memref<1088x128xf32, #tpu.memory_space<vmem_shared>>
        tpu.enqueue_indirect_dma source(%arg9 : memref<128x128xf32, #tpu.memory_space<vmem>>) target(%dma_start3A_120 : memref<1088x128xf32, #tpu.memory_space<vmem_shared>>) offsets(%dma_start3A_117 : memref<128xi32, #tpu.memory_space<vmem>>) semaphore(%run_scoped3A : memref<!tpu.dma_semaphore, #tpu.memory_space<semaphore_mem>>) {add = true}
        %dma_wait3A_121 = arith.constant 0 : i32
        %dma_wait3A_122 = tpu.memref_slice %arg7[%add3A_60, %dma_wait3A_121] : memref<40x128xi32, #tpu.memory_space<vmem>> -> memref<1x128xi32, #tpu.memory_space<vmem>>
        %dma_wait3A_123 = tpu.memref_squeeze %dma_wait3A_122 : memref<1x128xi32, #tpu.memory_space<vmem>> -> memref<128xi32, #tpu.memory_space<vmem>>
        %dma_wait3A_124 = arith.constant 0 : i32
        %dma_wait3A_125 = arith.constant 0 : i32
        %dma_wait3A_126 = tpu.memref_slice %arg13[%dma_wait3A_124, %dma_wait3A_125] : memref<1088x128xf32, #tpu.memory_space<vmem_shared>> -> memref<1088x128xf32, #tpu.memory_space<vmem_shared>>
        tpu.wait_indirect_dma semaphore(%run_scoped3A : memref<!tpu.dma_semaphore, #tpu.memory_space<semaphore_mem>>) src(%arg9 : memref<128x128xf32, #tpu.memory_space<vmem>>) dst(%dma_wait3A_126 : memref<1088x128xf32, #tpu.memory_space<vmem_shared>>)
        tpu.yield
      }) : () -> ()
      %mul3A_76 = arith.constant 4 : i32
      %mul3A_77 = arith.muli %scan3A_41, %mul3A_76 : i32
      %add3A_78 = arith.constant 2 : i32
      %add3A_79 = arith.addi %mul3A_77, %add3A_78 : i32
      %add3A_80 = arith.constant 4 : i32
      %add3A_81 = arith.addi %add3A_79, %add3A_80 : i32
      %sub3A_82 = arith.constant 1 : i32
      %sub3A_83 = arith.subi %add3A_81, %sub3A_82 : i32
      %le3A_84 = arith.constant 39 : i32
      %le3A_85 = arith.cmpi sle, %sub3A_83, %le3A_84 : i32
      %convert_element_type3A_86 = arith.extui %le3A_85 : i1 to i32
      %cond3A_87 = arith.constant 0 : i32
      %cond3A_88 = arith.cmpi ne, %convert_element_type3A_86, %cond3A_87 : i32
      scf.if %cond3A_88 {
        %dma_start3A_115 = arith.constant 0 : i32
        %dma_start3A_116 = tpu.memref_slice %arg6[%sub3A_83, %dma_start3A_115] : memref<40x128xi32, #tpu.memory_space<vmem>> -> memref<1x128xi32, #tpu.memory_space<vmem>>
        %dma_start3A_117 = tpu.memref_squeeze %dma_start3A_116 : memref<1x128xi32, #tpu.memory_space<vmem>> -> memref<128xi32, #tpu.memory_space<vmem>>
        %dma_start3A_118 = arith.constant 0 : i32
        %dma_start3A_119 = arith.constant 0 : i32
        %dma_start3A_120 = tpu.memref_slice %arg2[%dma_start3A_118, %dma_start3A_119] : memref<10240x128xf32, #tpu.memory_space<hbm>> -> memref<10240x128xf32, #tpu.memory_space<hbm>>
        tpu.enqueue_indirect_dma source(%dma_start3A_120 : memref<10240x128xf32, #tpu.memory_space<hbm>>) target(%arg9 : memref<128x128xf32, #tpu.memory_space<vmem>>) offsets(%dma_start3A_117 : memref<128xi32, #tpu.memory_space<vmem>>) semaphore(%arg15 : memref<!tpu.dma_semaphore, #tpu.memory_space<semaphore_mem>>)
      } else {
      }
      %dma_wait3A_89 = arith.constant 0 : i32
      %dma_wait3A_90 = tpu.memref_slice %arg6[%add3A_79, %dma_wait3A_89] : memref<40x128xi32, #tpu.memory_space<vmem>> -> memref<1x128xi32, #tpu.memory_space<vmem>>
      %dma_wait3A_91 = tpu.memref_squeeze %dma_wait3A_90 : memref<1x128xi32, #tpu.memory_space<vmem>> -> memref<128xi32, #tpu.memory_space<vmem>>
      %dma_wait3A_92 = arith.constant 0 : i32
      %dma_wait3A_93 = arith.constant 0 : i32
      %dma_wait3A_94 = tpu.memref_slice %arg2[%dma_wait3A_92, %dma_wait3A_93] : memref<10240x128xf32, #tpu.memory_space<hbm>> -> memref<10240x128xf32, #tpu.memory_space<hbm>>
      tpu.wait_indirect_dma semaphore(%arg16 : memref<!tpu.dma_semaphore, #tpu.memory_space<semaphore_mem>>) src(%dma_wait3A_94 : memref<10240x128xf32, #tpu.memory_space<hbm>>) dst(%arg10 : memref<128x128xf32, #tpu.memory_space<vmem>>)
      "tpu.region"() ({
        %run_scoped3A = tpu.sem_alloc : memref<!tpu.dma_semaphore, #tpu.memory_space<semaphore_mem>>
        %dma_start3A_115 = arith.constant 0 : i32
        %dma_start3A_116 = tpu.memref_slice %arg7[%add3A_79, %dma_start3A_115] : memref<40x128xi32, #tpu.memory_space<vmem>> -> memref<1x128xi32, #tpu.memory_space<vmem>>
        %dma_start3A_117 = tpu.memref_squeeze %dma_start3A_116 : memref<1x128xi32, #tpu.memory_space<vmem>> -> memref<128xi32, #tpu.memory_space<vmem>>
        %dma_start3A_118 = arith.constant 0 : i32
        %dma_start3A_119 = arith.constant 0 : i32
        %dma_start3A_120 = tpu.memref_slice %arg13[%dma_start3A_118, %dma_start3A_119] : memref<1088x128xf32, #tpu.memory_space<vmem_shared>> -> memref<1088x128xf32, #tpu.memory_space<vmem_shared>>
        tpu.enqueue_indirect_dma source(%arg10 : memref<128x128xf32, #tpu.memory_space<vmem>>) target(%dma_start3A_120 : memref<1088x128xf32, #tpu.memory_space<vmem_shared>>) offsets(%dma_start3A_117 : memref<128xi32, #tpu.memory_space<vmem>>) semaphore(%run_scoped3A : memref<!tpu.dma_semaphore, #tpu.memory_space<semaphore_mem>>) {add = true}
        %dma_wait3A_121 = arith.constant 0 : i32
        %dma_wait3A_122 = tpu.memref_slice %arg7[%add3A_79, %dma_wait3A_121] : memref<40x128xi32, #tpu.memory_space<vmem>> -> memref<1x128xi32, #tpu.memory_space<vmem>>
        %dma_wait3A_123 = tpu.memref_squeeze %dma_wait3A_122 : memref<1x128xi32, #tpu.memory_space<vmem>> -> memref<128xi32, #tpu.memory_space<vmem>>
        %dma_wait3A_124 = arith.constant 0 : i32
        %dma_wait3A_125 = arith.constant 0 : i32
        %dma_wait3A_126 = tpu.memref_slice %arg13[%dma_wait3A_124, %dma_wait3A_125] : memref<1088x128xf32, #tpu.memory_space<vmem_shared>> -> memref<1088x128xf32, #tpu.memory_space<vmem_shared>>
        tpu.wait_indirect_dma semaphore(%run_scoped3A : memref<!tpu.dma_semaphore, #tpu.memory_space<semaphore_mem>>) src(%arg10 : memref<128x128xf32, #tpu.memory_space<vmem>>) dst(%dma_wait3A_126 : memref<1088x128xf32, #tpu.memory_space<vmem_shared>>)
        tpu.yield
      }) : () -> ()
      %mul3A_95 = arith.constant 4 : i32
      %mul3A_96 = arith.muli %scan3A_41, %mul3A_95 : i32
      %add3A_97 = arith.constant 3 : i32
      %add3A_98 = arith.addi %mul3A_96, %add3A_97 : i32
      %add3A_99 = arith.constant 4 : i32
      %add3A_100 = arith.addi %add3A_98, %add3A_99 : i32
      %sub3A_101 = arith.constant 1 : i32
      %sub3A_102 = arith.subi %add3A_100, %sub3A_101 : i32
      %le3A_103 = arith.constant 39 : i32
      %le3A_104 = arith.cmpi sle, %sub3A_102, %le3A_103 : i32
      %convert_element_type3A_105 = arith.extui %le3A_104 : i1 to i32
      %cond3A_106 = arith.constant 0 : i32
      %cond3A_107 = arith.cmpi ne, %convert_element_type3A_105, %cond3A_106 : i32
      scf.if %cond3A_107 {
        %dma_start3A_115 = arith.constant 0 : i32
        %dma_start3A_116 = tpu.memref_slice %arg6[%sub3A_102, %dma_start3A_115] : memref<40x128xi32, #tpu.memory_space<vmem>> -> memref<1x128xi32, #tpu.memory_space<vmem>>
        %dma_start3A_117 = tpu.memref_squeeze %dma_start3A_116 : memref<1x128xi32, #tpu.memory_space<vmem>> -> memref<128xi32, #tpu.memory_space<vmem>>
        %dma_start3A_118 = arith.constant 0 : i32
        %dma_start3A_119 = arith.constant 0 : i32
        %dma_start3A_120 = tpu.memref_slice %arg2[%dma_start3A_118, %dma_start3A_119] : memref<10240x128xf32, #tpu.memory_space<hbm>> -> memref<10240x128xf32, #tpu.memory_space<hbm>>
        tpu.enqueue_indirect_dma source(%dma_start3A_120 : memref<10240x128xf32, #tpu.memory_space<hbm>>) target(%arg10 : memref<128x128xf32, #tpu.memory_space<vmem>>) offsets(%dma_start3A_117 : memref<128xi32, #tpu.memory_space<vmem>>) semaphore(%arg16 : memref<!tpu.dma_semaphore, #tpu.memory_space<semaphore_mem>>)
      } else {
      }
      %dma_wait3A_108 = arith.constant 0 : i32
      %dma_wait3A_109 = tpu.memref_slice %arg6[%add3A_98, %dma_wait3A_108] : memref<40x128xi32, #tpu.memory_space<vmem>> -> memref<1x128xi32, #tpu.memory_space<vmem>>
      %dma_wait3A_110 = tpu.memref_squeeze %dma_wait3A_109 : memref<1x128xi32, #tpu.memory_space<vmem>> -> memref<128xi32, #tpu.memory_space<vmem>>
      %dma_wait3A_111 = arith.constant 0 : i32
      %dma_wait3A_112 = arith.constant 0 : i32
      %dma_wait3A_113 = tpu.memref_slice %arg2[%dma_wait3A_111, %dma_wait3A_112] : memref<10240x128xf32, #tpu.memory_space<hbm>> -> memref<10240x128xf32, #tpu.memory_space<hbm>>
      tpu.wait_indirect_dma semaphore(%arg17 : memref<!tpu.dma_semaphore, #tpu.memory_space<semaphore_mem>>) src(%dma_wait3A_113 : memref<10240x128xf32, #tpu.memory_space<hbm>>) dst(%arg11 : memref<128x128xf32, #tpu.memory_space<vmem>>)
      "tpu.region"() ({
        %run_scoped3A = tpu.sem_alloc : memref<!tpu.dma_semaphore, #tpu.memory_space<semaphore_mem>>
        %dma_start3A_115 = arith.constant 0 : i32
        %dma_start3A_116 = tpu.memref_slice %arg7[%add3A_98, %dma_start3A_115] : memref<40x128xi32, #tpu.memory_space<vmem>> -> memref<1x128xi32, #tpu.memory_space<vmem>>
        %dma_start3A_117 = tpu.memref_squeeze %dma_start3A_116 : memref<1x128xi32, #tpu.memory_space<vmem>> -> memref<128xi32, #tpu.memory_space<vmem>>
        %dma_start3A_118 = arith.constant 0 : i32
        %dma_start3A_119 = arith.constant 0 : i32
        %dma_start3A_120 = tpu.memref_slice %arg13[%dma_start3A_118, %dma_start3A_119] : memref<1088x128xf32, #tpu.memory_space<vmem_shared>> -> memref<1088x128xf32, #tpu.memory_space<vmem_shared>>
        tpu.enqueue_indirect_dma source(%arg11 : memref<128x128xf32, #tpu.memory_space<vmem>>) target(%dma_start3A_120 : memref<1088x128xf32, #tpu.memory_space<vmem_shared>>) offsets(%dma_start3A_117 : memref<128xi32, #tpu.memory_space<vmem>>) semaphore(%run_scoped3A : memref<!tpu.dma_semaphore, #tpu.memory_space<semaphore_mem>>) {add = true}
        %dma_wait3A_121 = arith.constant 0 : i32
        %dma_wait3A_122 = tpu.memref_slice %arg7[%add3A_98, %dma_wait3A_121] : memref<40x128xi32, #tpu.memory_space<vmem>> -> memref<1x128xi32, #tpu.memory_space<vmem>>
        %dma_wait3A_123 = tpu.memref_squeeze %dma_wait3A_122 : memref<1x128xi32, #tpu.memory_space<vmem>> -> memref<128xi32, #tpu.memory_space<vmem>>
        %dma_wait3A_124 = arith.constant 0 : i32
        %dma_wait3A_125 = arith.constant 0 : i32
        %dma_wait3A_126 = tpu.memref_slice %arg13[%dma_wait3A_124, %dma_wait3A_125] : memref<1088x128xf32, #tpu.memory_space<vmem_shared>> -> memref<1088x128xf32, #tpu.memory_space<vmem_shared>>
        tpu.wait_indirect_dma semaphore(%run_scoped3A : memref<!tpu.dma_semaphore, #tpu.memory_space<semaphore_mem>>) src(%arg11 : memref<128x128xf32, #tpu.memory_space<vmem>>) dst(%dma_wait3A_126 : memref<1088x128xf32, #tpu.memory_space<vmem_shared>>)
        tpu.yield
      }) : () -> ()
      %scan3A_114 = arith.constant 0 : i32
      scf.yield %scan3A_114 : i32
    }
    %scan3A_35 = arith.constant 10 : i32
    %barrier3A_36 = arith.constant 0 : index
    tpu.barrier barrier_id(%barrier3A_36)
    %mul3A_37 = arith.constant 64 : i32
    %mul3A_38 = arith.muli %arg1, %mul3A_37 : i32
    %mul3A_39 = arith.constant 64 : i32
    %mul3A_40 = arith.muli %arg1, %mul3A_39 : i32
    "tpu.region"() ({
      %run_scoped3A = tpu.sem_alloc : memref<!tpu.dma_semaphore, #tpu.memory_space<semaphore_mem>>
      %dma_start3A_41 = arith.constant 0 : i32
      %dma_start3A_42 = tpu.memref_slice %arg5[%arg0, %mul3A_40, %dma_start3A_41] : memref<2x1024x128xf32, #tpu.memory_space<hbm>> -> memref<1x64x128xf32, #tpu.memory_space<hbm>>
      %dma_start3A_43 = tpu.memref_squeeze %dma_start3A_42 : memref<1x64x128xf32, #tpu.memory_space<hbm>> -> memref<64x128xf32, #tpu.memory_space<hbm>>
      %dma_start3A_44 = arith.constant 0 : i32
      %dma_start3A_45 = tpu.memref_slice %arg13[%mul3A_38, %dma_start3A_44] : memref<1088x128xf32, #tpu.memory_space<vmem_shared>> -> memref<64x128xf32, #tpu.memory_space<vmem_shared>>
      tpu.enqueue_dma source(%dma_start3A_45 : memref<64x128xf32, #tpu.memory_space<vmem_shared>>) target(%dma_start3A_43 : memref<64x128xf32, #tpu.memory_space<hbm>>) target_semaphore(%run_scoped3A : memref<!tpu.dma_semaphore, #tpu.memory_space<semaphore_mem>>)
      %dma_wait3A = arith.constant 0 : i32
      %dma_wait3A_46 = tpu.memref_slice %arg5[%arg0, %mul3A_40, %dma_wait3A] : memref<2x1024x128xf32, #tpu.memory_space<hbm>> -> memref<1x64x128xf32, #tpu.memory_space<hbm>>
      %dma_wait3A_47 = tpu.memref_squeeze %dma_wait3A_46 : memref<1x64x128xf32, #tpu.memory_space<hbm>> -> memref<64x128xf32, #tpu.memory_space<hbm>>
      %dma_wait3A_48 = arith.constant 0 : i32
      %dma_wait3A_49 = tpu.memref_slice %arg13[%mul3A_38, %dma_wait3A_48] : memref<1088x128xf32, #tpu.memory_space<vmem_shared>> -> memref<64x128xf32, #tpu.memory_space<vmem_shared>>
      tpu.wait_dma2 semaphore(%run_scoped3A : memref<!tpu.dma_semaphore, #tpu.memory_space<semaphore_mem>>) src(%dma_wait3A_49 : memref<64x128xf32, #tpu.memory_space<vmem_shared>>) dst(%dma_wait3A_47 : memref<64x128xf32, #tpu.memory_space<hbm>>)
      tpu.yield
    }) : () -> ()
    return
  }
}

module attributes {stable_mosaic.version = 14 : i64} {
  func.func @body(%arg0: i32, %arg1: memref<1280x256xf32, #tpu.memory_space<vmem>>, %arg2: memref<256x128xf32, #tpu.memory_space<vmem>>, %arg3: memref<256x128xf32, #tpu.memory_space<vmem>>, %arg4: memref<1x128xf32, #tpu.memory_space<vmem>>, %arg5: memref<160x128xi32, #tpu.memory_space<vmem>>, %arg6: memref<1280x128xf32, #tpu.memory_space<vmem>>, %arg7: memref<1024x128xf32, #tpu.memory_space<vmem>>, %arg8: memref<160x128xi32, #tpu.memory_space<vmem>>) attributes {dimension_semantics = [#tpu.dimension_semantics<arbitrary>], iteration_bounds = array<i64: 8>, scalar_prefetch = 0 : i64, scratch_operands = 0 : i64, tpu.core_type = #tpu.core_type<tc>, window_params = [{transform_indices = @transform_0, window_bounds = array<i64: 1280, 256>}, {pipeline_mode = #tpu.pipeline_mode<synchronous>, transform_indices = @transform_1, window_bounds = array<i64: 256, 128>}, {pipeline_mode = #tpu.pipeline_mode<synchronous>, transform_indices = @transform_2, window_bounds = array<i64: 256, 128>}, {pipeline_mode = #tpu.pipeline_mode<synchronous>, transform_indices = @transform_3, window_bounds = array<i64: 1, 128>}, {transform_indices = @transform_4, window_bounds = array<i64: 160, 128>}, {transform_indices = @transform_5, window_bounds = array<i64: 1280, 128>}, {pipeline_mode = #tpu.pipeline_mode<synchronous>, transform_indices = @transform_6, window_bounds = array<i64: 1024, 128>}, {transform_indices = @transform_7, window_bounds = array<i64: 160, 128>}]} {
    %get3A = arith.constant 0 : index
    %get3A_0 = arith.constant 0 : index
    %get3A_1 = vector.load %arg1[%get3A, %get3A_0] : memref<1280x256xf32, #tpu.memory_space<vmem>>, vector<1280x256xf32>
    %get3A_2 = arith.constant 0 : index
    %get3A_3 = arith.constant 0 : index
    %get3A_4 = vector.load %arg2[%get3A_2, %get3A_3] : memref<256x128xf32, #tpu.memory_space<vmem>>, vector<256x128xf32>
    %dot_general3A = arith.constant dense<0.000000e+00> : vector<1280x128xf32>
    %dot_general3A_5 = tpu.matmul %get3A_1, %get3A_4, %dot_general3A {dimension_numbers = #tpu.dot_dimension_numbers<[1], [0], [0], [1], [0, 0, 1, 1], [], []>, transpose_lhs_hint = false} : vector<1280x256xf32>, vector<256x128xf32>, vector<1280x128xf32> -> vector<1280x128xf32>
    %iota3A = tpu.iota {dimensions = array<i32: 1>} : vector<1280x128xi32>
    %ge3A = arith.constant 32 : i32
    %ge3A_6 = vector.broadcast %ge3A : i32 to vector<1280x128xi32>
    %ge3A_7 = arith.cmpi sge, %iota3A, %ge3A_6 : vector<1280x128xi32>
    %lt3A = arith.constant 48 : i32
    %lt3A_8 = vector.broadcast %lt3A : i32 to vector<1280x128xi32>
    %lt3A_9 = arith.cmpi slt, %iota3A, %lt3A_8 : vector<1280x128xi32>
    %and3A = arith.andi %ge3A_7, %lt3A_9 : vector<1280x128xi1>
    %jit3A = arith.constant 1.000000e+00 : f32
    %broadcast_in_dim3A = vector.broadcast %jit3A : f32 to vector<1280x128xf32>
    %select_n3A = arith.select %and3A, %broadcast_in_dim3A, %dot_general3A_5 : vector<1280x128xi1>, vector<1280x128xf32>
    %swap3A = arith.constant 0 : index
    %swap3A_10 = arith.constant 0 : index
    %swap3A_11 = vector.load %arg6[%swap3A, %swap3A_10] : memref<1280x128xf32, #tpu.memory_space<vmem>>, vector<1280x128xf32>
    tpu.vector_store %arg6[%swap3A, %swap3A_10], %select_n3A {strides = array<i32>} : memref<1280x128xf32, #tpu.memory_space<vmem>>, vector<1280x128xf32>,
    %get3A_12 = arith.constant 0 : index
    %get3A_13 = arith.constant 0 : index
    %get3A_14 = vector.load %arg5[%get3A_12, %get3A_13] : memref<160x128xi32, #tpu.memory_space<vmem>>, vector<160x128xi32>
    %lt3A_15 = arith.constant 1024 : i32
    %lt3A_16 = vector.broadcast %lt3A_15 : i32 to vector<160x128xi32>
    %lt3A_17 = arith.cmpi slt, %get3A_14, %lt3A_16 : vector<160x128xi32>
    %and3A_18 = arith.constant 63 : i32
    %and3A_19 = vector.broadcast %and3A_18 : i32 to vector<160x128xi32>
    %and3A_20 = arith.andi %get3A_14, %and3A_19 : vector<160x128xi32>
    %add3A = arith.constant 1024 : i32
    %add3A_21 = vector.broadcast %add3A : i32 to vector<160x128xi32>
    %add3A_22 = arith.addi %add3A_21, %and3A_20 : vector<160x128xi32>
    %select_n3A_23 = arith.select %lt3A_17, %get3A_14, %add3A_22 : vector<160x128xi1>, vector<160x128xi32>
    %swap3A_24 = arith.constant 0 : index
    %swap3A_25 = arith.constant 0 : index
    %swap3A_26 = vector.load %arg8[%swap3A_24, %swap3A_25] : memref<160x128xi32, #tpu.memory_space<vmem>>, vector<160x128xi32>
    tpu.vector_store %arg8[%swap3A_24, %swap3A_25], %select_n3A_23 {strides = array<i32>} : memref<160x128xi32, #tpu.memory_space<vmem>>, vector<160x128xi32>,
    %eq3A = arith.constant 0 : i32
    %eq3A_27 = arith.cmpi eq, %arg0, %eq3A : i32
    %convert_element_type3A = arith.extui %eq3A_27 : i1 to i32
    %cond3A = arith.constant 0 : i32
    %cond3A_28 = arith.cmpi ne, %convert_element_type3A, %cond3A : i32
    scf.if %cond3A_28 {
      %slice3A = vector.extract_strided_slice %get3A_1 {offsets = [0, 0], sizes = [1024, 256], strides = [1, 1]} : vector<1280x256xf32> to vector<1024x256xf32>
      %get3A_29 = arith.constant 0 : index
      %get3A_30 = arith.constant 0 : index
      %get3A_31 = vector.load %arg3[%get3A_29, %get3A_30] : memref<256x128xf32, #tpu.memory_space<vmem>>, vector<256x128xf32>
      %dot_general3A_32 = arith.constant dense<0.000000e+00> : vector<1024x128xf32>
      %dot_general3A_33 = tpu.matmul %slice3A, %get3A_31, %dot_general3A_32 {dimension_numbers = #tpu.dot_dimension_numbers<[1], [0], [0], [1], [0, 0, 1, 1], [], []>, transpose_lhs_hint = false} : vector<1024x256xf32>, vector<256x128xf32>, vector<1024x128xf32> -> vector<1024x128xf32>
      %get3A_34 = arith.constant 0 : index
      %get3A_35 = arith.constant 0 : index
      %get3A_36 = vector.load %arg4[%get3A_34, %get3A_35] : memref<1x128xf32, #tpu.memory_space<vmem>>, vector<1x128xf32>
      %add3A_37 = vector.broadcast %get3A_36 : vector<1x128xf32> to vector<1024x128xf32>
      %add3A_38 = arith.addf %dot_general3A_33, %add3A_37 : vector<1024x128xf32>
      %swap3A_39 = arith.constant 0 : index
      %swap3A_40 = arith.constant 0 : index
      %swap3A_41 = vector.load %arg7[%swap3A_39, %swap3A_40] : memref<1024x128xf32, #tpu.memory_space<vmem>>, vector<1024x128xf32>
      tpu.vector_store %arg7[%swap3A_39, %swap3A_40], %add3A_38 {strides = array<i32>} : memref<1024x128xf32, #tpu.memory_space<vmem>>, vector<1024x128xf32>,
    } else {
    }
    return
  }
  func.func @transform_0(%arg0: i32) -> (i32, i32) {
    %c0_i32 = arith.constant 0 : i32
    %c0_i32_0 = arith.constant 0 : i32
    return %arg0, %c0_i32 : i32, i32
  }
  func.func @transform_1(%arg0: i32) -> (i32, i32) {
    %c0_i32 = arith.constant 0 : i32
    %c0_i32_0 = arith.constant 0 : i32
    %c0_i32_1 = arith.constant 0 : i32
    return %c0_i32, %c0_i32_0 : i32, i32
  }
  func.func @transform_2(%arg0: i32) -> (i32, i32) {
    %c0_i32 = arith.constant 0 : i32
    %c0_i32_0 = arith.constant 0 : i32
    %c0_i32_1 = arith.constant 0 : i32
    return %c0_i32, %c0_i32_0 : i32, i32
  }
  func.func @transform_3(%arg0: i32) -> (i32, i32) {
    %c0_i32 = arith.constant 0 : i32
    %c0_i32_0 = arith.constant 0 : i32
    %c0_i32_1 = arith.constant 0 : i32
    return %c0_i32, %c0_i32_0 : i32, i32
  }
  func.func @transform_4(%arg0: i32) -> (i32, i32) {
    %c0_i32 = arith.constant 0 : i32
    %c0_i32_0 = arith.constant 0 : i32
    return %arg0, %c0_i32 : i32, i32
  }
  func.func @transform_5(%arg0: i32) -> (i32, i32) {
    %c0_i32 = arith.constant 0 : i32
    %c0_i32_0 = arith.constant 0 : i32
    return %arg0, %c0_i32 : i32, i32
  }
  func.func @transform_6(%arg0: i32) -> (i32, i32) {
    %c0_i32 = arith.constant 0 : i32
    %c0_i32_0 = arith.constant 0 : i32
    %c0_i32_1 = arith.constant 0 : i32
    return %c0_i32, %c0_i32_0 : i32, i32
  }
  func.func @transform_7(%arg0: i32) -> (i32, i32) {
    %c0_i32 = arith.constant 0 : i32
    %c0_i32_0 = arith.constant 0 : i32
    return %arg0, %c0_i32 : i32, i32
  }
}

module attributes {stable_mosaic.version = 14 : i64} {
  func.func @body(%arg0: memref<2x1024x128xf32, #tpu.memory_space<vmem>>, %arg1: memref<1024x128xf32, #tpu.memory_space<vmem>>, %arg2: memref<1024x128xf32, #tpu.memory_space<vmem>>) attributes {dimension_semantics = [], scalar_prefetch = 0 : i64, scratch_operands = 0 : i64, tpu.core_type = #tpu.core_type<tc>} {
    %get3A = arith.constant 0 : index
    %get3A_0 = arith.constant 0 : index
    %get3A_1 = arith.constant 0 : index
    %get3A_2 = vector.load %arg0[%get3A, %get3A_0, %get3A_1] : memref<2x1024x128xf32, #tpu.memory_space<vmem>>, vector<1x1024x128xf32>
    %get3A_3 = vector.shape_cast %get3A_2 : vector<1x1024x128xf32> to vector<1024x128xf32>
    %get3A_4 = arith.constant 1 : index
    %get3A_5 = arith.constant 0 : index
    %get3A_6 = arith.constant 0 : index
    %get3A_7 = vector.load %arg0[%get3A_4, %get3A_5, %get3A_6] : memref<2x1024x128xf32, #tpu.memory_space<vmem>>, vector<1x1024x128xf32>
    %get3A_8 = vector.shape_cast %get3A_7 : vector<1x1024x128xf32> to vector<1024x128xf32>
    %add3A = arith.addf %get3A_3, %get3A_8 : vector<1024x128xf32>
    %slice3A = vector.extract_strided_slice %add3A {offsets = [0, 32], sizes = [1024, 1], strides = [1, 1]} : vector<1024x128xf32> to vector<1024x1xf32>
    %max3A = arith.constant 1.000000e+00 : f32
    %max3A_9 = vector.broadcast %max3A : f32 to vector<1024x1xf32>
    %max3A_10 = arith.maximumf %slice3A, %max3A_9 : vector<1024x1xf32>
    %div3A = vector.broadcast %max3A_10 : vector<1024x1xf32> to vector<1024x128xf32>
    %div3A_11 = arith.divf %add3A, %div3A : vector<1024x128xf32>
    %get3A_12 = arith.constant 0 : index
    %get3A_13 = arith.constant 0 : index
    %get3A_14 = vector.load %arg1[%get3A_12, %get3A_13] : memref<1024x128xf32, #tpu.memory_space<vmem>>, vector<1024x128xf32>
    %add3A_15 = arith.addf %div3A_11, %get3A_14 : vector<1024x128xf32>
    %max3A_16 = arith.constant 0.000000e+00 : f32
    %max3A_17 = vector.broadcast %max3A_16 : f32 to vector<1024x128xf32>
    %max3A_18 = arith.maximumf %add3A_15, %max3A_17 : vector<1024x128xf32>
    %iota3A = tpu.iota {dimensions = array<i32: 1>} : vector<1024x128xi32>
    %ge3A = arith.constant 32 : i32
    %ge3A_19 = vector.broadcast %ge3A : i32 to vector<1024x128xi32>
    %ge3A_20 = arith.cmpi sge, %iota3A, %ge3A_19 : vector<1024x128xi32>
    %lt3A = arith.constant 48 : i32
    %lt3A_21 = vector.broadcast %lt3A : i32 to vector<1024x128xi32>
    %lt3A_22 = arith.cmpi slt, %iota3A, %lt3A_21 : vector<1024x128xi32>
    %and3A = arith.andi %ge3A_20, %lt3A_22 : vector<1024x128xi1>
    %jit3A = arith.constant 1.000000e+00 : f32
    %broadcast_in_dim3A = vector.broadcast %jit3A : f32 to vector<1024x128xf32>
    %select_n3A = arith.select %and3A, %broadcast_in_dim3A, %max3A_18 : vector<1024x128xi1>, vector<1024x128xf32>
    %swap3A = arith.constant 0 : index
    %swap3A_23 = arith.constant 0 : index
    %swap3A_24 = vector.load %arg2[%swap3A, %swap3A_23] : memref<1024x128xf32, #tpu.memory_space<vmem>>, vector<1024x128xf32>
    tpu.vector_store %arg2[%swap3A, %swap3A_23], %select_n3A {strides = array<i32>} : memref<1024x128xf32, #tpu.memory_space<vmem>>, vector<1024x128xf32>,
    return
  }
}

module attributes {stable_mosaic.version = 14 : i64} {
  func.func @body(%arg0: memref<2x1024x128xf32, #tpu.memory_space<vmem>>, %arg1: memref<1024x128xf32, #tpu.memory_space<vmem>>, %arg2: memref<128x256xf32, #tpu.memory_space<vmem>>, %arg3: memref<128x256xf32, #tpu.memory_space<vmem>>, %arg4: memref<1x256xf32, #tpu.memory_space<vmem>>, %arg5: memref<1024x256xf32, #tpu.memory_space<vmem>>) attributes {dimension_semantics = [], scalar_prefetch = 0 : i64, scratch_operands = 0 : i64, tpu.core_type = #tpu.core_type<tc>} {
    %get3A = arith.constant 0 : index
    %get3A_0 = arith.constant 0 : index
    %get3A_1 = arith.constant 0 : index
    %get3A_2 = vector.load %arg0[%get3A, %get3A_0, %get3A_1] : memref<2x1024x128xf32, #tpu.memory_space<vmem>>, vector<1x1024x128xf32>
    %get3A_3 = vector.shape_cast %get3A_2 : vector<1x1024x128xf32> to vector<1024x128xf32>
    %get3A_4 = arith.constant 1 : index
    %get3A_5 = arith.constant 0 : index
    %get3A_6 = arith.constant 0 : index
    %get3A_7 = vector.load %arg0[%get3A_4, %get3A_5, %get3A_6] : memref<2x1024x128xf32, #tpu.memory_space<vmem>>, vector<1x1024x128xf32>
    %get3A_8 = vector.shape_cast %get3A_7 : vector<1x1024x128xf32> to vector<1024x128xf32>
    %add3A = arith.addf %get3A_3, %get3A_8 : vector<1024x128xf32>
    %slice3A = vector.extract_strided_slice %add3A {offsets = [0, 32], sizes = [1024, 1], strides = [1, 1]} : vector<1024x128xf32> to vector<1024x1xf32>
    %max3A = arith.constant 1.000000e+00 : f32
    %max3A_9 = vector.broadcast %max3A : f32 to vector<1024x1xf32>
    %max3A_10 = arith.maximumf %slice3A, %max3A_9 : vector<1024x1xf32>
    %div3A = vector.broadcast %max3A_10 : vector<1024x1xf32> to vector<1024x128xf32>
    %div3A_11 = arith.divf %add3A, %div3A : vector<1024x128xf32>
    %get3A_12 = arith.constant 0 : index
    %get3A_13 = arith.constant 0 : index
    %get3A_14 = vector.load %arg2[%get3A_12, %get3A_13] : memref<128x256xf32, #tpu.memory_space<vmem>>, vector<128x256xf32>
    %dot_general3A = arith.constant dense<0.000000e+00> : vector<1024x256xf32>
    %dot_general3A_15 = tpu.matmul %div3A_11, %get3A_14, %dot_general3A {dimension_numbers = #tpu.dot_dimension_numbers<[1], [0], [0], [1], [0, 0, 1, 1], [], []>, transpose_lhs_hint = false} : vector<1024x128xf32>, vector<128x256xf32>, vector<1024x256xf32> -> vector<1024x256xf32>
    %get3A_16 = arith.constant 0 : index
    %get3A_17 = arith.constant 0 : index
    %get3A_18 = vector.load %arg1[%get3A_16, %get3A_17] : memref<1024x128xf32, #tpu.memory_space<vmem>>, vector<1024x128xf32>
    %get3A_19 = arith.constant 0 : index
    %get3A_20 = arith.constant 0 : index
    %get3A_21 = vector.load %arg3[%get3A_19, %get3A_20] : memref<128x256xf32, #tpu.memory_space<vmem>>, vector<128x256xf32>
    %dot_general3A_22 = arith.constant dense<0.000000e+00> : vector<1024x256xf32>
    %dot_general3A_23 = tpu.matmul %get3A_18, %get3A_21, %dot_general3A_22 {dimension_numbers = #tpu.dot_dimension_numbers<[1], [0], [0], [1], [0, 0, 1, 1], [], []>, transpose_lhs_hint = false} : vector<1024x128xf32>, vector<128x256xf32>, vector<1024x256xf32> -> vector<1024x256xf32>
    %add3A_24 = arith.addf %dot_general3A_15, %dot_general3A_23 : vector<1024x256xf32>
    %get3A_25 = arith.constant 0 : index
    %get3A_26 = arith.constant 0 : index
    %get3A_27 = vector.load %arg4[%get3A_25, %get3A_26] : memref<1x256xf32, #tpu.memory_space<vmem>>, vector<1x256xf32>
    %add3A_28 = vector.broadcast %get3A_27 : vector<1x256xf32> to vector<1024x256xf32>
    %add3A_29 = arith.addf %add3A_24, %add3A_28 : vector<1024x256xf32>
    %swap3A = arith.constant 0 : index
    %swap3A_30 = arith.constant 0 : index
    %swap3A_31 = vector.load %arg5[%swap3A, %swap3A_30] : memref<1024x256xf32, #tpu.memory_space<vmem>>, vector<1024x256xf32>
    tpu.vector_store %arg5[%swap3A, %swap3A_30], %add3A_29 {strides = array<i32>} : memref<1024x256xf32, #tpu.memory_space<vmem>>, vector<1024x256xf32>,
    return
  }
}

</mosaic_0001>

<sc_bundles>
// kernel: kernel.11.cloned.1.call-start
scs
__scs_entry_jumppad:
0x0: {  	(pc) =	sbr.rel $0x88, $3  }
0x1: {  	(tag) =	ssettag $0x0;
	lr =	simm.s32 $0x1  }
0x2: {  	[smem:$0x3F97] =	sst lr;
	_ =	strace $0xD0000000  }
0x3: {  	_ = 	snop  }
0x4: {  	_ = 	snop  }
0x5: {  	_ = 	snop  }
0x6: {  	_ = 	snop  }
0x7: {  	_ = 	snop  }
__scs_overlays_trampoline_lowered:
0x8: {  	[smem:$0x3FA6] =	sst s0  }
0x9: {  	[smem:$0x3FA7] =	sst s1  }
0xa: {  	[smem:$0x3FA8] =	sst s2  }
0xb: {  	[smem:$0x3FA9] =	sst s3  }
0xc: {  	[smem:$0x3FAA] =	sst s4  }
0xd: {  	[smem:$0x3FAB] =	sst s5  }
0xe: {  	[smem:$0x3FAC] =	sst s6  }
0xf: {  	[smem:$0x3FAD] =	sst s7  }
0x10: {  	[smem:$0x3FAE] =	sst s8  }
0x11: {  	[smem:$0x3FAF] =	sst s9;
	s0 =	simm.s32 @!p0 $0x0  }
0x12: {  	s1 =	sld [smem:$0x3F95];
	s0 =	simm.s32 @p0 $0x1  }
0x13: {  	[smem:$0x3FB0] =	sst s0;
	s0 =	simm.s32 @!p1 $0x0  }
0x14: {  	s2 =	sld [smem:$0x3F94];
	s0 =	simm.s32 @p1 $0x1  }
0x15: {  	[smem:$0x3FB1] =	sst s0;
	s0 =	simm.s32 @!p2 $0x0  }
0x16: {  	s3 =	sld [smem:$0x3FDB];
	s0 =	simm.s32 @p2 $0x1  }
0x17: {  	s4 =	simm.s32 $0x1BF5;
	[smem:$0x3FB3] =	sst s0  }
0x18: {  	s0 =	sld [smem:$0x3F96];
	_ =	swait.ge [sflag:s4], $0x0  }
0x19: {  	s7 =	sld [smem:$0x3F97]  }
0x1a: {  	s8 =	sadd.s32 $0xFFFFE003, lr  }
0x1b: {  	s9 =	sadd.s32 $0xFFFFFEF7, lr;
	s5 =	simm.s32 $0xFFFFFFFF;
	p2 =	slt.u32 s8, $0xFFFFF086  }
0x1c: {  	p1 =	slt.u32 s9, $0xF7A;
	s5 =	simm.s32 @!p2 $0x0  }
0x1d: {  	s5 =	simm.s32 @p1 $0x1;
	p0 =	seq.s32 s7, s2  }
0x1e: {  	s7 =	smul.u32 @!p0 $0xF7A, s2;
	p2 =	seq.s32 @!p0 s5, $0x0  }
0x1f: {  	s9 =	smul.u32 $0xF7A, s1;
	s8 =	simm.s32 @!p0 $0x1BF5;
	p2 =	por !p2, p0  }
0x20: {  	[sflag:s8] =	ssyncset.s32 @!p0 $0xFFFFF086;
	s6 =	sadd.s32 @!p0 s3, s7;
	s7 =	simm.s32 @!p0 $0x108  }
0x21: {  	s3 =	sadd.s32 s3, s9;
	s6 =	sadd.s32 @!p0 $0x88, s6;
	s7 =	simm.s32 @p2 $0x1082  }
0x22: {  	[simem:s7], [sflag:s8] =	dma.local @!p0 [hbm:s6], $0xF7A  }
0x23: {  	s9 =	sor.u32 $0xD0000000, s2;
	s6 =	simm.s32 $0x108;
	_ =	swait.ge @!p0 [sflag:s8], $0x0  }
0x24: {  	s3 =	sadd.s32 $0x88, s3;
	s6 =	simm.s32 @!p1 $0x1082;
	[sflag:s4] =	ssyncset.s32 $0xFFFFF086  }
0x25: {  	[simem:s6], [sflag:s4] =	dma.local [hbm:s3], $0xF7A  }
0x26: {  	[smem:$0x3F97] =	sst s1;
	(tag) =	ssettag s2;
	_ =	strace s9  }
0x27: {  	s1 =	sld [smem:$0x3FA7]  }
0x28: {  	s2 =	sld [smem:$0x3FA8]  }
0x29: {  	s4 =	sld [smem:$0x3FAA]  }
0x2a: {  	p0 =	seq.s32 s5, $0x0;
	s5 =	sld [smem:$0x3FAB]  }
0x2b: {  	s6 =	sld [smem:$0x3FAC]  }
0x2c: {  	s7 =	sld [smem:$0x3FAD]  }
0x2d: {  	s3 =	simm.s32 $0x108;
	s8 =	sld [smem:$0x3FAE]  }
0x2e: {  	s3 =	simm.s32 @!p0 $0x1082;
	s9 =	sld [smem:$0x3FAF]  }
0x2f: {  	lr =	sadd.s32 s0, s3;
	s0 =	sld [smem:$0x3FA6]  }
0x30: {  	s3 =	sld [smem:$0x3FA9]  }
0x31: {  	[smem:$0x3FB2] =	sst s10  }
0x32: {  	s10 =	sld [smem:$0x3FB0];
	_ =	sdelay $0x3  }
0x33: {  	p0 =	seq.s32 s10, $0x1;
	s10 =	sld [smem:$0x3FB2];
	_ =	sdelay $0x3  }
0x34: {  	[smem:$0x3FB2] =	sst s10  }
0x35: {  	s10 =	sld [smem:$0x3FB1];
	_ =	sdelay $0x3  }
0x36: {  	p1 =	seq.s32 s10, $0x1;
	s10 =	sld [smem:$0x3FB2];
	_ =	sdelay $0x3  }
0x37: {  	[smem:$0x3FB2] =	sst s10  }
0x38: {  	s10 =	sld [smem:$0x3FB3]  }
0x39: {  	_ = 	snop;
	(pc) =	sbr.ind lr, $3  }
0x3a: {  	_ = 	snop  }
0x3b: {  	_ = 	snop  }
0x3c: {  	p2 =	seq.s32 s10, $0x1;
	s10 =	sld [smem:$0x3FB2]  }
0x3d: {  	_ =	shalt  }
0x3e: {  	_ =	shalt  }
0x3f: {  	_ =	shalt  }
0x40: {  	_ =	shalt  }
0x41: {  	_ =	shalt  }
0x42: {  	_ =	shalt  }
0x43: {  	_ =	shalt  }
0x44: {  	_ =	shalt  }
0x45: {  	_ =	shalt  }
0x46: {  	_ =	shalt  }
0x47: {  	_ =	shalt  }
0x48: {  	_ =	shalt  }
0x49: {  	_ =	shalt  }
0x4a: {  	_ =	shalt  }
0x4b: {  	_ =	shalt  }
0x4c: {  	_ =	shalt  }
0x4d: {  	_ =	shalt  }
0x4e: {  	_ =	shalt  }
0x4f: {  	_ =	shalt  }
0x50: {  	_ =	shalt  }
0x51: {  	_ =	shalt  }
0x52: {  	_ =	shalt  }
0x53: {  	_ =	shalt  }
0x54: {  	_ =	shalt  }
0x55: {  	_ =	shalt  }
0x56: {  	_ =	shalt  }
0x57: {  	_ =	shalt  }
0x58: {  	_ =	shalt  }
0x59: {  	_ =	shalt  }
0x5a: {  	_ =	shalt  }
0x5b: {  	_ =	shalt  }
0x5c: {  	_ =	shalt  }
0x5d: {  	_ =	shalt  }
0x5e: {  	_ =	shalt  }
0x5f: {  	_ =	shalt  }
0x60: {  	_ =	shalt  }
0x61: {  	_ =	shalt  }
0x62: {  	_ =	shalt  }
0x63: {  	_ =	shalt  }
0x64: {  	_ =	shalt  }
0x65: {  	_ =	shalt  }
0x66: {  	_ =	shalt  }
0x67: {  	_ =	shalt  }
0x68: {  	_ =	shalt  }
0x69: {  	_ =	shalt  }
0x6a: {  	_ =	shalt  }
0x6b: {  	_ =	shalt  }
0x6c: {  	_ =	shalt  }
0x6d: {  	_ =	shalt  }
0x6e: {  	_ =	shalt  }
0x6f: {  	_ =	shalt  }
0x70: {  	_ =	shalt  }
0x71: {  	_ =	shalt  }
0x72: {  	_ =	shalt  }
0x73: {  	_ =	shalt  }
0x74: {  	_ =	shalt  }
0x75: {  	_ =	shalt  }
0x76: {  	_ =	shalt  }
0x77: {  	_ =	shalt  }
0x78: {  	_ =	shalt  }
0x79: {  	_ =	shalt  }
0x7a: {  	_ =	shalt  }
0x7b: {  	_ =	shalt  }
0x7c: {  	_ =	shalt  }
0x7d: {  	_ =	shalt  }
0x7e: {  	_ =	shalt  }
0x7f: {  	_ =	shalt  }
0x80: {  	_ =	shalt  }
0x81: {  	_ =	shalt  }
0x82: {  	_ =	shalt  }
0x83: {  	_ =	shalt  }
0x84: {  	_ =	shalt  }
0x85: {  	_ =	shalt  }
0x86: {  	_ =	shalt  }
0x87: {  	_ =	shalt  }
.Lfunc_end0:
.L_simem_size_0:
called_computation.1_lowered:
.L_overlay_start_0:
0x88: {  	s2 =	sld [smem:$0x3FD9]  }
0x89: {  	s3 =	sld [smem:$0x3FFE];
	_ =	sdelay $0x1  }
0x8a: {  	s1 =	srdreg.scid  }
0x8b: {  	s0 =	sand.u32 $0x1, s1  }
0x8c: {  	s17 =	sshll.u32 s0, $0xA;
	s2 =	sadd.s32 s3, s2  }
0x8d: {  	s2 =	sadd.s32 s2, s17  }
0x8e: {  	[smem:$0x3FBE] =	sst s2  }
0x8f: {  	_ = 	snop  }
0x90: {  	s2 =	sld [smem:$0x3FD0];
	(tm) =	ssettm $0x1  }
0x91: {  	s18 =	sld [smem:$0x3FFB];
	_ =	sdelay $0x3  }
0x92: {  	_ =	strace s18  }
0x93: {  	s3 =	sld [smem:$0x3FFC];
	_ =	sdelay $0x3  }
0x94: {  	_ =	strace s3  }
0x95: {  	s3 =	sld [smem:$0x3FFD];
	_ =	sdelay $0x3  }
0x96: {  	_ =	strace s3  }
0x97: {  	_ =	strace $0x8FFFFFFF  }
0x98: {  	s19 =	sld [smem:$0x3FDB];
	_ =	sdelay $0x1  }
0x99: {  	s4 =	simm.s32 $_scs_section_size  }
0x9a: {  	s5 =	simm.s32 $_size__tile_overlayer_lowered;
	s6 =	simm.s32 $_tile_overlayer_lowered  }
0x9b: {  	s22 =	simm.s32 $0x1BFF;
	s21 =	sshll.u32 s6, $0x1;
	s3 =	sadd.s32 s4, s19  }
0x9c: {  	s7 =	simm.s32 $0x0;
	s20 =	sshll.u32 s5, $0x1;
	s5 =	sadd.s32 s21, s3  }
0x9d: {  	[timem:s7], [sflag:s22] =	dma.local [hbm:s5], s20  }
0x9e: {  	_ =	swait.ge [sflag:s22], s20  }
0x9f: {  	s4 =	ssub.s32 $0x0, s20;
	[sflag:s22] =	ssyncset.done $0x0  }
0xa0: {  	[sflag:s22] =	ssyncadd.s32 s4;
	_ =	sdelay $0x1  }
0xa1: {  	s23 =	simm.s32 $0x1B8B  }
0xa2: {  	_ =	swait.ge [sflag:s23], $0x1  }
0xa3: {  	[sflag:s23] =	ssyncset.done $0x0  }
0xa4: {  	s25 =	simm.s32 $0x1B8E;
	s24 =	sld [smem:$0x3FFE];
	[sflag:s23] =	ssyncadd.s32 $0xFFFFFFFF  }
0xa5: {  	s26 =	simm.s32 $execute0_lowered;
	[smem:$0x3FD2] =	sst s25  }
0xa6: {  	s5 =	sshll.u32 s26, $0x1;
	_ =	strace $0x80000049;
	[dreg:$0x1] =	wrdreg $0xFFFFFFFF  }
0xa7: {  	s28 =	simm.s32 $_size_execute0_lowered;
	s3 =	sadd.s32 s3, s5;
	[dreg:$0x0] =	wrdreg $0x0  }
0xa8: {  	s5 =	sshll.u32 s28, $0x1;
	[dreg:$0x2] =	wrdreg s3  }
0xa9: {  	[dreg:$0x3] =	wrdreg s5  }
0xaa: {  	[dreg:$0x4] =	wrdreg $0xC0  }
0xab: {  	_ =	task [dreg:s7], $0x5FFFF  }
0xac: {  	[dreg:$0x1] =	wrdreg $0xFFFFFFFF  }
0xad: {  	[dreg:$0x0] =	wrdreg $0x60  }
0xae: {  	[dreg:$0x2] =	wrdreg s24  }
0xaf: {  	[dreg:$0x3] =	wrdreg s2  }
0xb0: {  	[dreg:$0x4] =	wrdreg $0x148000  }
0xb1: {  	[dreg:$0x5] =	wrdreg $0x9  }
0xb2: {  	_ =	task.clear_ibuf [dreg:s7], $0x6FFFF;
	_ =	strace $0x90000049  }
0xb3: {  	s29 =	simm.s32 $0x9;
	_ =	strace $0x8000004B  }
0xb4: {  	_ =	swait.ge [sflag:s29], $0x1  }
0xb5: {  	[sflag:s29] =	ssyncadd.s32 $0xFFFFFFFF  }
0xb6: {  	_ =	strace $0x9000004B  }
0xb7: {  	_ =	sfence  }
0xb8: {  	s30 =	sld [smem:$0x0];
	_ =	sdelay $0x2  }
0xb9: {  	s31 =	sshll.u32 s1, $0xD;
	s1 =	sshrl.u32 s1, $0x2  }
0xba: {  	s3 =	sand.u32 $0x4000, s31;
	s1 =	sadd.s32 s1, s30  }
0xbb: {  	s0 =	sor.u32 s3, s0;
	s1 =	sshll.u32 s1, $0x11  }
0xbc: {  	s0 =	sor.u32 s1, s0  }
0xbd: {  	s0 =	sadd.s32 $0x8F2B, s0  }
0xbe: {  	[sflag:s0] =	ssyncadd.remote.s32 $0x1  }
0xbf: {  	_ =	sfence.sel $0xFFFF  }
0xc0: {  	[dreg:$0x0] =	wrdreg $0xFFFFFFFF;
	(pc) =	sbr.abs _section_cstart, $3  }
0xc1: {  	[dreg:$0x1] =	wrdreg $0xFFFFFFFF  }
0xc2: {  	_ =	task.clear_ibuf [dreg:s7], $0x2FFFF;
	_ =	strace $0x9FFFFFFF  }
0xc3: {  	(tm) =	ssettm $0x7FFFFFFF  }
tec
execute0_lowered:
.L_overlay_start_1:
0x0: {  	(tag) =	ssettag $0x1  }
0x1: {  	s1 =	rddreg [dreg:$0x0]  }
0x2: {  	s7 =	rddreg [dreg:$0x1]  }
0x3: {  	s3 =	srdreg.scid;
	s0 =	stileid.u32  }
0x4: {  	s2 =	rddreg [dreg:$0x2];
	s11 =	simm.s32 $0x5;
	s12 =	simm.s32 $0x1400  }
0x5: {  	s13 =	simm.s32 $0x80;
	s14 =	simm.s32 $0x2800;
	s15 =	simm.s32 $0x6800  }
0x6: {  	s16 =	simm.s32 $0x100;
	s17 =	simm.s32 $0xA800;
	s18 =	simm.s32 $0xE800  }
0x7: {  	s19 =	simm.s32 $0x1;
	s20 =	simm.s32 $0x2;
	s21 =	simm.s32 $0x3  }
0x8: {  	s22 =	simm.s32 $0x4;
	s23 =	simm.s32 $0x1380;
	s24 =	simm.s32 $0x2600  }
0x9: {  	s25 =	simm.s32 $0x2680;
	s26 =	simm.s32 $0x2700;
	s28 =	simm.s32 $0x2780  }
0xa: {  	s8 =	sand.u32 $0x1, s3;
	s4 =	sshll.u32 s0, $0x1;
	s3 =	simm.s32 $0x0  }
0xb: {  	s9 =	sshll.u32 s0, $0xD;
	s31 =	sshll.u32 s0, $0xA;
	s4 =	sor.u32 s8, s4  }
0xc: {  	[smem:$0x7FF] =	sst s3;
	s6 =	ssub.s32 $0x2, s8;
	s5 =	smul.u32 $0x280, s4  }
0xd: {  	s8 =	sshll.u32 s8, $0xE;
	_ =	strace $0x8000004A;
	s30 =	sshrl.u32 s6, $0x1  }
0xe: {  	s4 =	sadd.s32 $0x3000, s1;
	s10 =	ssub.s32 s6, s30;
	s1 =	sadd.s32 s5, s1  }
0xf: {  	s5 =	sadd.s32 s9, s2;
	s9 =	sadd.s32 s7, s31;
	s6 =	sadd.s32 $0x53000, s1  }
0x10: {  	v0 =	vimm.f32 $0.0e+00;
	s7 =	sadd.s32 $0x2B000, s1;
	s8 =	sadd.s32 s8, s9;
	s9 =	smax.u32 s10, $0x1  }
.LBB2_1:
0x11: {  	s29 =	simm.s32 $0x0;
	s30 =	simm.s32 $0x200  }
.LBB2_2:
0x12: {  	p0 =	sne.s32 s30, $0x7E00;
	[tilespmem:s29+$0x12870] =	vst v0  }
0x13: {  	[tilespmem:s29+$0x12800] =	vst v0  }
0x14: {  	[tilespmem:s29+$0x12810] =	vst v0  }
.Ltmp0:
0x15: {  	[tilespmem:s29+$0x12820] =	vst v0;
	(pc) =	sbr.rel @p0 .LBB2_2-.Ltmp0, $4  }
0x16: {  	[tilespmem:s29+$0x12830] =	vst v0  }
0x17: {  	[tilespmem:s29+$0x12840] =	vst v0  }
0x18: {  	[tilespmem:s29+$0x12850] =	vst v0  }
0x19: {  	[tilespmem:s29+$0x12860] =	vst v0;
	s29 =	sshra.s32 s30, $0x2;
	s30 =	sadd.s32 $0x200, s30  }
0x1a: {  	[tilespmem:s29+$0x12870] =	vst v0  }
0x1b: {  	[tilespmem:s29+$0x12800] =	vst v0  }
0x1c: {  	[tilespmem:s29+$0x12810] =	vst v0  }
0x1d: {  	[tilespmem:s29+$0x12820] =	vst v0  }
0x1e: {  	[tilespmem:s29+$0x12830] =	vst v0  }
0x1f: {  	[tilespmem:s29+$0x12840] =	vst v0  }
0x20: {  	[tilespmem:s29+$0x12850] =	vst v0  }
0x21: {  	[tilespmem:s29+$0x12860] =	vst v0;
	s1 =	simm.s32 $0x12800  }
0x22: {  	[spmem:s5] =	stream.linear.scatter [tilespmem:s1], [sflag:$0x5], $0x2000, $0x38;
	[tilespmem:$0x16A00] =	vst v63  }
0x23: {  	_ =	swait.ge [sflag:s11], $0x2000  }
0x24: {  	[sflag:s11] =	ssyncset.done $0x0  }
0x25: {  	s31 =	simm.s32 $0x0;
	[sflag:s11] =	ssyncadd.s32 $0xFFFFE000  }
0x26: {  	[tilespmem:s31], [sflag:$0x5] =	stream.linear.gather [hbm4b:s6+s31], $0x1400, $0x38;
	[tilespmem:$0x16A00] =	vst v63  }
0x27: {  	_ =	swait.ge [sflag:s11], $0x1400  }
0x28: {  	[sflag:s11] =	ssyncset.done $0x0  }
0x29: {  	[sflag:s11] =	ssyncadd.s32 $0xFFFFEC00  }
0x2a: {  	[tilespmem:s12], [sflag:$0x5] =	stream.linear.gather [hbm4b:s7+s31], $0x1400, $0x38;
	[tilespmem:$0x16A00] =	vst v63  }
0x2b: {  	_ =	swait.ge [sflag:s11], $0x1400  }
0x2c: {  	[sflag:s11] =	ssyncset.done $0x0  }
0x2d: {  	[sflag:s11] =	ssyncadd.s32 $0xFFFFEC00  }
0x2e: {  	[bflag:$0x0] =	sbarrier.arrive $0xFFFF  }
0x2f: {  	[tilespmem:s14], [sflag:$0x1] =	stream.indirect.gather [hbm4b:s4+s13], $0x80, s31, s13, $0xb8;
	[tilespmem:$0x16A00] =	vst v63  }
0x30: {  	_ = 	snop  }
0x31: {  	[tilespmem:s15], [sflag:$0x2] =	stream.indirect.gather [hbm4b:s4+s13], $0x80, s13, s13, $0xb8;
	[tilespmem:$0x16A00] =	vst v63  }
0x32: {  	_ = 	snop  }
0x33: {  	[tilespmem:s17], [sflag:$0x3] =	stream.indirect.gather [hbm4b:s4+s13], $0x80, s16, s13, $0xb8;
	[tilespmem:$0x16A00] =	vst v63  }
0x34: {  	s10 =	simm.s32 $0x180  }
0x35: {  	[tilespmem:s18], [sflag:$0x4] =	stream.indirect.gather [hbm4b:s4+s13], $0x80, s10, s13, $0xb8;
	[tilespmem:$0x16A00] =	vst v63  }
0x36: {  	_ =	swait.ge [sflag:s19], $0x4000  }
0x37: {  	[sflag:s19] =	ssyncset.done $0x0  }
0x38: {  	s31 =	simm.s32 $0x1400;
	[sflag:s19] =	ssyncadd.s32 $0xFFFFC000  }
0x39: {  	[spmem:s2] =	stream.indirect.scatter.add.f32 [tilespmem:s14], [sflag:$0x5], $0x80, s31, s13, $0xb8;
	[tilespmem:$0x16A00] =	vst v63  }
0x3a: {  	_ =	swait.ge [sflag:s11], $0x4000  }
0x3b: {  	[sflag:s11] =	ssyncset.done $0x0  }
0x3c: {  	s10 =	simm.s32 $0x200;
	[sflag:s11] =	ssyncadd.s32 $0xFFFFC000  }
0x3d: {  	[tilespmem:s14], [sflag:$0x1] =	stream.indirect.gather [hbm4b:s4+s13], $0x80, s10, s13, $0xb8;
	[tilespmem:$0x16A00] =	vst v63  }
0x3e: {  	_ =	swait.ge [sflag:s20], $0x4000  }
0x3f: {  	[sflag:s20] =	ssyncset.done $0x0  }
0x40: {  	s31 =	simm.s32 $0x1480;
	[sflag:s20] =	ssyncadd.s32 $0xFFFFC000  }
0x41: {  	[spmem:s2] =	stream.indirect.scatter.add.f32 [tilespmem:s15], [sflag:$0x5], $0x80, s31, s13, $0xb8;
	[tilespmem:$0x16A00] =	vst v63  }
0x42: {  	_ =	swait.ge [sflag:s11], $0x4000  }
0x43: {  	[sflag:s11] =	ssyncset.done $0x0  }
0x44: {  	s10 =	simm.s32 $0x280;
	[sflag:s11] =	ssyncadd.s32 $0xFFFFC000  }
0x45: {  	[tilespmem:s15], [sflag:$0x2] =	stream.indirect.gather [hbm4b:s4+s13], $0x80, s10, s13, $0xb8;
	[tilespmem:$0x16A00] =	vst v63  }
0x46: {  	_ =	swait.ge [sflag:s21], $0x4000  }
0x47: {  	[sflag:s21] =	ssyncset.done $0x0  }
0x48: {  	s31 =	simm.s32 $0x1500;
	[sflag:s21] =	ssyncadd.s32 $0xFFFFC000  }
0x49: {  	[spmem:s2] =	stream.indirect.scatter.add.f32 [tilespmem:s17], [sflag:$0x5], $0x80, s31, s13, $0xb8;
	[tilespmem:$0x16A00] =	vst v63  }
0x4a: {  	_ =	swait.ge [sflag:s11], $0x4000  }
0x4b: {  	[sflag:s11] =	ssyncset.done $0x0  }
0x4c: {  	s10 =	simm.s32 $0x300;
	[sflag:s11] =	ssyncadd.s32 $0xFFFFC000  }
0x4d: {  	[tilespmem:s17], [sflag:$0x3] =	stream.indirect.gather [hbm4b:s4+s13], $0x80, s10, s13, $0xb8;
	[tilespmem:$0x16A00] =	vst v63  }
0x4e: {  	_ =	swait.ge [sflag:s22], $0x4000  }
0x4f: {  	[sflag:s22] =	ssyncset.done $0x0  }
0x50: {  	s31 =	simm.s32 $0x1580;
	[sflag:s22] =	ssyncadd.s32 $0xFFFFC000  }
0x51: {  	[spmem:s2] =	stream.indirect.scatter.add.f32 [tilespmem:s18], [sflag:$0x5], $0x80, s31, s13, $0xb8;
	[tilespmem:$0x16A00] =	vst v63  }
0x52: {  	_ =	swait.ge [sflag:s11], $0x4000  }
0x53: {  	s30 =	simm.s32 $0x1000;
	s29 =	simm.s32 $0x200;
	[sflag:s11] =	ssyncset.done $0x0  }
.LBB2_4:
0x54: {  	s10 =	sadd.s32 $0x180, s29  }
0x55: {  	[sflag:s11] =	ssyncadd.s32 $0xFFFFC000;
	s31 =	smov.u32 s30;
	s1 =	sadd.s32 $0x800, s30  }
0x56: {  	[tilespmem:s18], [sflag:$0x4] =	stream.indirect.gather [hbm4b:s4+s13], $0x80, s10, s13, $0xb8;
	[tilespmem:$0x16A00] =	vst v63  }
0x57: {  	p0 =	sne.s32 s30, $0x4000;
	_ =	swait.ge [sflag:s19], $0x4000  }
0x58: {  	[sflag:s19] =	ssyncset.done $0x0  }
0x59: {  	s10 =	sadd.s32 $0x1400, s29;
	[sflag:s19] =	ssyncadd.s32 $0xFFFFC000  }
0x5a: {  	[spmem:s2] =	stream.indirect.scatter.add.f32 [tilespmem:s14], [sflag:$0x5], $0x80, s10, s13, $0xb8;
	[tilespmem:$0x16A00] =	vst v63  }
0x5b: {  	_ =	swait.ge [sflag:s11], $0x4000  }
0x5c: {  	[sflag:s11] =	ssyncset.done $0x0  }
0x5d: {  	s10 =	sadd.s32 $0x200, s29;
	[sflag:s11] =	ssyncadd.s32 $0xFFFFC000  }
0x5e: {  	[tilespmem:s14], [sflag:$0x1] =	stream.indirect.gather [hbm4b:s4+s13], $0x80, s10, s13, $0xb8;
	[tilespmem:$0x16A00] =	vst v63  }
0x5f: {  	_ =	swait.ge [sflag:s20], $0x4000  }
0x60: {  	[sflag:s20] =	ssyncset.done $0x0  }
0x61: {  	s10 =	sadd.s32 $0x1480, s29;
	[sflag:s20] =	ssyncadd.s32 $0xFFFFC000  }
0x62: {  	[spmem:s2] =	stream.indirect.scatter.add.f32 [tilespmem:s15], [sflag:$0x5], $0x80, s10, s13, $0xb8;
	[tilespmem:$0x16A00] =	vst v63  }
0x63: {  	_ =	swait.ge [sflag:s11], $0x4000  }
0x64: {  	[sflag:s11] =	ssyncset.done $0x0  }
0x65: {  	s10 =	sadd.s32 $0x280, s29;
	[sflag:s11] =	ssyncadd.s32 $0xFFFFC000  }
0x66: {  	[tilespmem:s15], [sflag:$0x2] =	stream.indirect.gather [hbm4b:s4+s13], $0x80, s10, s13, $0xb8;
	[tilespmem:$0x16A00] =	vst v63  }
0x67: {  	_ =	swait.ge [sflag:s21], $0x4000  }
0x68: {  	[sflag:s21] =	ssyncset.done $0x0  }
0x69: {  	s10 =	sadd.s32 $0x1500, s29;
	[sflag:s21] =	ssyncadd.s32 $0xFFFFC000  }
0x6a: {  	[spmem:s2] =	stream.indirect.scatter.add.f32 [tilespmem:s17], [sflag:$0x5], $0x80, s10, s13, $0xb8;
	[tilespmem:$0x16A00] =	vst v63  }
0x6b: {  	_ =	swait.ge [sflag:s11], $0x4000  }
0x6c: {  	[sflag:s11] =	ssyncset.done $0x0  }
0x6d: {  	s10 =	sadd.s32 $0x300, s29;
	[sflag:s11] =	ssyncadd.s32 $0xFFFFC000  }
0x6e: {  	[tilespmem:s17], [sflag:$0x3] =	stream.indirect.gather [hbm4b:s4+s13], $0x80, s10, s13, $0xb8;
	[tilespmem:$0x16A00] =	vst v63  }
0x6f: {  	_ =	swait.ge [sflag:s22], $0x4000  }
.Ltmp1:
0x70: {  	[sflag:s22] =	ssyncset.done $0x0;
	(pc) =	sbr.rel @p0 .LBB2_4-.Ltmp1, $4  }
0x71: {  	s10 =	sadd.s32 $0x1580, s29;
	[sflag:s22] =	ssyncadd.s32 $0xFFFFC000  }
0x72: {  	[spmem:s2] =	stream.indirect.scatter.add.f32 [tilespmem:s18], [sflag:$0x5], $0x80, s10, s13, $0xb8;
	[tilespmem:$0x16A00] =	vst v63  }
0x73: {  	_ =	swait.ge [sflag:s11], $0x4000  }
0x74: {  	s30 =	smov.u32 s1;
	s29 =	sshra.s32 s31, $0x2;
	[sflag:s11] =	ssyncset.done $0x0  }
0x75: {  	s1 =	sadd.s32 $0x180, s29;
	[sflag:s11] =	ssyncadd.s32 $0xFFFFC000  }
0x76: {  	[tilespmem:s18], [sflag:$0x4] =	stream.indirect.gather [hbm4b:s4+s13], $0x80, s1, s13, $0xb8;
	[tilespmem:$0x16A00] =	vst v63  }
0x77: {  	_ =	swait.ge [sflag:s19], $0x4000  }
0x78: {  	[sflag:s19] =	ssyncset.done $0x0  }
0x79: {  	s30 =	sadd.s32 $0x1400, s29;
	[sflag:s19] =	ssyncadd.s32 $0xFFFFC000  }
0x7a: {  	[spmem:s2] =	stream.indirect.scatter.add.f32 [tilespmem:s14], [sflag:$0x5], $0x80, s30, s13, $0xb8;
	[tilespmem:$0x16A00] =	vst v63  }
0x7b: {  	_ =	swait.ge [sflag:s11], $0x4000  }
0x7c: {  	[sflag:s11] =	ssyncset.done $0x0  }
0x7d: {  	s31 =	sadd.s32 $0x200, s29;
	[sflag:s11] =	ssyncadd.s32 $0xFFFFC000  }
0x7e: {  	[tilespmem:s14], [sflag:$0x1] =	stream.indirect.gather [hbm4b:s4+s13], $0x80, s31, s13, $0xb8;
	[tilespmem:$0x16A00] =	vst v63  }
0x7f: {  	_ =	swait.ge [sflag:s20], $0x4000  }
0x80: {  	[sflag:s20] =	ssyncset.done $0x0  }
0x81: {  	s10 =	sadd.s32 $0x1480, s29;
	[sflag:s20] =	ssyncadd.s32 $0xFFFFC000  }
0x82: {  	[spmem:s2] =	stream.indirect.scatter.add.f32 [tilespmem:s15], [sflag:$0x5], $0x80, s10, s13, $0xb8;
	[tilespmem:$0x16A00] =	vst v63  }
0x83: {  	_ =	swait.ge [sflag:s11], $0x4000  }
0x84: {  	[sflag:s11] =	ssyncset.done $0x0  }
0x85: {  	s30 =	sadd.s32 $0x280, s29;
	[sflag:s11] =	ssyncadd.s32 $0xFFFFC000  }
0x86: {  	[tilespmem:s15], [sflag:$0x2] =	stream.indirect.gather [hbm4b:s4+s13], $0x80, s30, s13, $0xb8;
	[tilespmem:$0x16A00] =	vst v63  }
0x87: {  	_ =	swait.ge [sflag:s21], $0x4000  }
0x88: {  	[sflag:s21] =	ssyncset.done $0x0  }
0x89: {  	s31 =	sadd.s32 $0x1500, s29;
	[sflag:s21] =	ssyncadd.s32 $0xFFFFC000  }
0x8a: {  	[spmem:s2] =	stream.indirect.scatter.add.f32 [tilespmem:s17], [sflag:$0x5], $0x80, s31, s13, $0xb8;
	[tilespmem:$0x16A00] =	vst v63  }
0x8b: {  	_ =	swait.ge [sflag:s11], $0x4000  }
0x8c: {  	[sflag:s11] =	ssyncset.done $0x0  }
0x8d: {  	s10 =	sadd.s32 $0x300, s29;
	[sflag:s11] =	ssyncadd.s32 $0xFFFFC000  }
0x8e: {  	[tilespmem:s17], [sflag:$0x3] =	stream.indirect.gather [hbm4b:s4+s13], $0x80, s10, s13, $0xb8;
	[tilespmem:$0x16A00] =	vst v63  }
0x8f: {  	_ =	swait.ge [sflag:s22], $0x4000  }
0x90: {  	[sflag:s22] =	ssyncset.done $0x0  }
0x91: {  	s30 =	sadd.s32 $0x1580, s29;
	[sflag:s22] =	ssyncadd.s32 $0xFFFFC000  }
0x92: {  	[spmem:s2] =	stream.indirect.scatter.add.f32 [tilespmem:s18], [sflag:$0x5], $0x80, s30, s13, $0xb8;
	[tilespmem:$0x16A00] =	vst v63  }
0x93: {  	_ =	swait.ge [sflag:s11], $0x4000  }
0x94: {  	[sflag:s11] =	ssyncset.done $0x0  }
0x95: {  	[sflag:s11] =	ssyncadd.s32 $0xFFFFC000  }
0x96: {  	[tilespmem:s18], [sflag:$0x4] =	stream.indirect.gather [hbm4b:s4+s13], $0x80, s23, s13, $0xb8;
	[tilespmem:$0x16A00] =	vst v63  }
0x97: {  	_ =	swait.ge [sflag:s19], $0x4000  }
0x98: {  	[sflag:s19] =	ssyncset.done $0x0  }
0x99: {  	[sflag:s19] =	ssyncadd.s32 $0xFFFFC000  }
0x9a: {  	[spmem:s2] =	stream.indirect.scatter.add.f32 [tilespmem:s14], [sflag:$0x5], $0x80, s24, s13, $0xb8;
	[tilespmem:$0x16A00] =	vst v63  }
0x9b: {  	_ =	swait.ge [sflag:s11], $0x4000  }
0x9c: {  	[sflag:s11] =	ssyncset.done $0x0  }
0x9d: {  	[sflag:s11] =	ssyncadd.s32 $0xFFFFC000  }
0x9e: {  	_ =	swait.ge [sflag:s20], $0x4000  }
0x9f: {  	[sflag:s20] =	ssyncset.done $0x0  }
0xa0: {  	[sflag:s20] =	ssyncadd.s32 $0xFFFFC000  }
0xa1: {  	[spmem:s2] =	stream.indirect.scatter.add.f32 [tilespmem:s15], [sflag:$0x5], $0x80, s25, s13, $0xb8;
	[tilespmem:$0x16A00] =	vst v63  }
0xa2: {  	_ =	swait.ge [sflag:s11], $0x4000  }
0xa3: {  	[sflag:s11] =	ssyncset.done $0x0  }
0xa4: {  	[sflag:s11] =	ssyncadd.s32 $0xFFFFC000  }
0xa5: {  	_ =	swait.ge [sflag:s21], $0x4000  }
0xa6: {  	[sflag:s21] =	ssyncset.done $0x0  }
0xa7: {  	[sflag:s21] =	ssyncadd.s32 $0xFFFFC000  }
0xa8: {  	[spmem:s2] =	stream.indirect.scatter.add.f32 [tilespmem:s17], [sflag:$0x5], $0x80, s26, s13, $0xb8;
	[tilespmem:$0x16A00] =	vst v63  }
0xa9: {  	_ =	swait.ge [sflag:s11], $0x4000  }
0xaa: {  	[sflag:s11] =	ssyncset.done $0x0  }
0xab: {  	[sflag:s11] =	ssyncadd.s32 $0xFFFFC000  }
0xac: {  	_ =	swait.ge [sflag:s22], $0x4000  }
0xad: {  	[sflag:s22] =	ssyncset.done $0x0  }
0xae: {  	[sflag:s22] =	ssyncadd.s32 $0xFFFFC000  }
0xaf: {  	[spmem:s2] =	stream.indirect.scatter.add.f32 [tilespmem:s18], [sflag:$0x5], $0x80, s28, s13, $0xb8;
	[tilespmem:$0x16A00] =	vst v63  }
0xb0: {  	_ =	swait.ge [sflag:s11], $0x4000  }
0xb1: {  	s3 =	sadd.s32 $0x1, s3;
	s31 =	sshll.u32 s0, $0x6;
	[sflag:s11] =	ssyncset.done $0x0  }
0xb2: {  	p0 =	sne.s32 s3, s9;
	s1 =	sor.u32 $0x1C05, s31;
	[sflag:s11] =	ssyncadd.s32 $0xFFFFC000  }
.Ltmp2:
0xb3: {  	s10 =	sshrl.u32 s5, $0x3;
	[bflag:$0x0] =	sbarrier.arrive $0xFFFF;
	(pc) =	sbr.rel @p0 .LBB2_1-.Ltmp2, $4  }
0xb4: {  	[hbm:s8], [sflag:s1] =	dma.local [spmem:s10], $0x400  }
0xb5: {  	_ =	swait.ge [sflag:s11], $0x400  }
0xb6: {  	[sflag:s11] =	ssyncset.done $0x0  }
0xb7: {  	[sflag:s11] =	ssyncadd.s32 $0xFFFFFC00  }
0xb8: {  	_ =	sfence.sel $0x180000  }
0xb9: {  	[bflag:$0x0] =	sbarrier.arrive $0xFFFF  }
0xba: {  	_ =	strace $0x9000004A  }
0xbb: {  	[bflag:$0x2] =	sbarrier.arrive $0xFFFF  }
0xbc: {  	p0 =	sne.s32 s0, $0x0;
	s0 =	rddreg [dreg:$0x3]  }
0xbd: {  	s0 =	sadd.s32 @!p0 $0x100000, s0  }
0xbe: {  	[sflag:s0] =	ssyncadd.tile.s32 @!p0 $0x1;
	_ =	shalt  }
.Lfunc_end2:
_tile_overlayer_lowered:
.L_overlay_start_2:
0xbf: {  	(tag) =	ssettag $0x2  }
0xc0: {  	s0 =	rddreg [dreg:$0x0];
	s2 =	stileid.u32  }
0xc1: {  	s1 =	rddreg [dreg:$0x1];
	p0 =	sne.s32 s2, $0x0  }
0xc2: {  	s3 =	rddreg [dreg:$0x2];
	[bflag:$0x3] =	sbarrier.arrive $0xFFFF;
	s2 =	simm.s32 @!p0 $0x1C05  }
0xc3: {  	[timem:s3], [sflag:s2] =	dma.local @!p0 [hbm:s0], s1  }
0xc4: {  	s0 =	simm.s32 @!p0 $0x5  }
0xc5: {  	_ =	swait.ge @!p0 [sflag:s0], s1  }
0xc6: {  	s1 =	ssub.s32 @!p0 $0x0, s1;
	[sflag:s0] =	ssyncset.done @!p0 $0x0  }
0xc7: {  	[sflag:s0] =	ssyncadd.s32 @!p0 s1  }
0xc8: {  	[bflag:$0x3] =	sbarrier.arrive $0xFFFF  }
0xc9: {  	_ =	shalt  }

// kernel: kernel.14.cloned.1.call-start
scs
__scs_entry_jumppad:
0x0: {  	(pc) =	sbr.rel $0x88, $3  }
0x1: {  	(tag) =	ssettag $0x0;
	lr =	simm.s32 $0x1  }
0x2: {  	[smem:$0x3F97] =	sst lr;
	_ =	strace $0xD0000000  }
0x3: {  	_ = 	snop  }
0x4: {  	_ = 	snop  }
0x5: {  	_ = 	snop  }
0x6: {  	_ = 	snop  }
0x7: {  	_ = 	snop  }
__scs_overlays_trampoline_lowered:
0x8: {  	[smem:$0x3FA6] =	sst s0  }
0x9: {  	[smem:$0x3FA7] =	sst s1  }
0xa: {  	[smem:$0x3FA8] =	sst s2  }
0xb: {  	[smem:$0x3FA9] =	sst s3  }
0xc: {  	[smem:$0x3FAA] =	sst s4  }
0xd: {  	[smem:$0x3FAB] =	sst s5  }
0xe: {  	[smem:$0x3FAC] =	sst s6  }
0xf: {  	[smem:$0x3FAD] =	sst s7  }
0x10: {  	[smem:$0x3FAE] =	sst s8  }
0x11: {  	[smem:$0x3FAF] =	sst s9;
	s0 =	simm.s32 @!p0 $0x0  }
0x12: {  	s1 =	sld [smem:$0x3F95];
	s0 =	simm.s32 @p0 $0x1  }
0x13: {  	[smem:$0x3FB0] =	sst s0;
	s0 =	simm.s32 @!p1 $0x0  }
0x14: {  	s2 =	sld [smem:$0x3F94];
	s0 =	simm.s32 @p1 $0x1  }
0x15: {  	[smem:$0x3FB1] =	sst s0;
	s0 =	simm.s32 @!p2 $0x0  }
0x16: {  	s3 =	sld [smem:$0x3FDB];
	s0 =	simm.s32 @p2 $0x1  }
0x17: {  	s4 =	simm.s32 $0x1BF5;
	[smem:$0x3FB3] =	sst s0  }
0x18: {  	s0 =	sld [smem:$0x3F96];
	_ =	swait.ge [sflag:s4], $0x0  }
0x19: {  	s7 =	sld [smem:$0x3F97]  }
0x1a: {  	s8 =	sadd.s32 $0xFFFFE003, lr  }
0x1b: {  	s9 =	sadd.s32 $0xFFFFFEF7, lr;
	s5 =	simm.s32 $0xFFFFFFFF;
	p2 =	slt.u32 s8, $0xFFFFF086  }
0x1c: {  	p1 =	slt.u32 s9, $0xF7A;
	s5 =	simm.s32 @!p2 $0x0  }
0x1d: {  	s5 =	simm.s32 @p1 $0x1;
	p0 =	seq.s32 s7, s2  }
0x1e: {  	s7 =	smul.u32 @!p0 $0xF7A, s2;
	p2 =	seq.s32 @!p0 s5, $0x0  }
0x1f: {  	s9 =	smul.u32 $0xF7A, s1;
	s8 =	simm.s32 @!p0 $0x1BF5;
	p2 =	por !p2, p0  }
0x20: {  	[sflag:s8] =	ssyncset.s32 @!p0 $0xFFFFF086;
	s6 =	sadd.s32 @!p0 s3, s7;
	s7 =	simm.s32 @!p0 $0x108  }
0x21: {  	s3 =	sadd.s32 s3, s9;
	s6 =	sadd.s32 @!p0 $0x88, s6;
	s7 =	simm.s32 @p2 $0x1082  }
0x22: {  	[simem:s7], [sflag:s8] =	dma.local @!p0 [hbm:s6], $0xF7A  }
0x23: {  	s9 =	sor.u32 $0xD0000000, s2;
	s6 =	simm.s32 $0x108;
	_ =	swait.ge @!p0 [sflag:s8], $0x0  }
0x24: {  	s3 =	sadd.s32 $0x88, s3;
	s6 =	simm.s32 @!p1 $0x1082;
	[sflag:s4] =	ssyncset.s32 $0xFFFFF086  }
0x25: {  	[simem:s6], [sflag:s4] =	dma.local [hbm:s3], $0xF7A  }
0x26: {  	[smem:$0x3F97] =	sst s1;
	(tag) =	ssettag s2;
	_ =	strace s9  }
0x27: {  	s1 =	sld [smem:$0x3FA7]  }
0x28: {  	s2 =	sld [smem:$0x3FA8]  }
0x29: {  	s4 =	sld [smem:$0x3FAA]  }
0x2a: {  	p0 =	seq.s32 s5, $0x0;
	s5 =	sld [smem:$0x3FAB]  }
0x2b: {  	s6 =	sld [smem:$0x3FAC]  }
0x2c: {  	s7 =	sld [smem:$0x3FAD]  }
0x2d: {  	s3 =	simm.s32 $0x108;
	s8 =	sld [smem:$0x3FAE]  }
0x2e: {  	s3 =	simm.s32 @!p0 $0x1082;
	s9 =	sld [smem:$0x3FAF]  }
0x2f: {  	lr =	sadd.s32 s0, s3;
	s0 =	sld [smem:$0x3FA6]  }
0x30: {  	s3 =	sld [smem:$0x3FA9]  }
0x31: {  	[smem:$0x3FB2] =	sst s10  }
0x32: {  	s10 =	sld [smem:$0x3FB0];
	_ =	sdelay $0x3  }
0x33: {  	p0 =	seq.s32 s10, $0x1;
	s10 =	sld [smem:$0x3FB2];
	_ =	sdelay $0x3  }
0x34: {  	[smem:$0x3FB2] =	sst s10  }
0x35: {  	s10 =	sld [smem:$0x3FB1];
	_ =	sdelay $0x3  }
0x36: {  	p1 =	seq.s32 s10, $0x1;
	s10 =	sld [smem:$0x3FB2];
	_ =	sdelay $0x3  }
0x37: {  	[smem:$0x3FB2] =	sst s10  }
0x38: {  	s10 =	sld [smem:$0x3FB3]  }
0x39: {  	_ = 	snop;
	(pc) =	sbr.ind lr, $3  }
0x3a: {  	_ = 	snop  }
0x3b: {  	_ = 	snop  }
0x3c: {  	p2 =	seq.s32 s10, $0x1;
	s10 =	sld [smem:$0x3FB2]  }
0x3d: {  	_ =	shalt  }
0x3e: {  	_ =	shalt  }
0x3f: {  	_ =	shalt  }
0x40: {  	_ =	shalt  }
0x41: {  	_ =	shalt  }
0x42: {  	_ =	shalt  }
0x43: {  	_ =	shalt  }
0x44: {  	_ =	shalt  }
0x45: {  	_ =	shalt  }
0x46: {  	_ =	shalt  }
0x47: {  	_ =	shalt  }
0x48: {  	_ =	shalt  }
0x49: {  	_ =	shalt  }
0x4a: {  	_ =	shalt  }
0x4b: {  	_ =	shalt  }
0x4c: {  	_ =	shalt  }
0x4d: {  	_ =	shalt  }
0x4e: {  	_ =	shalt  }
0x4f: {  	_ =	shalt  }
0x50: {  	_ =	shalt  }
0x51: {  	_ =	shalt  }
0x52: {  	_ =	shalt  }
0x53: {  	_ =	shalt  }
0x54: {  	_ =	shalt  }
0x55: {  	_ =	shalt  }
0x56: {  	_ =	shalt  }
0x57: {  	_ =	shalt  }
0x58: {  	_ =	shalt  }
0x59: {  	_ =	shalt  }
0x5a: {  	_ =	shalt  }
0x5b: {  	_ =	shalt  }
0x5c: {  	_ =	shalt  }
0x5d: {  	_ =	shalt  }
0x5e: {  	_ =	shalt  }
0x5f: {  	_ =	shalt  }
0x60: {  	_ =	shalt  }
0x61: {  	_ =	shalt  }
0x62: {  	_ =	shalt  }
0x63: {  	_ =	shalt  }
0x64: {  	_ =	shalt  }
0x65: {  	_ =	shalt  }
0x66: {  	_ =	shalt  }
0x67: {  	_ =	shalt  }
0x68: {  	_ =	shalt  }
0x69: {  	_ =	shalt  }
0x6a: {  	_ =	shalt  }
0x6b: {  	_ =	shalt  }
0x6c: {  	_ =	shalt  }
0x6d: {  	_ =	shalt  }
0x6e: {  	_ =	shalt  }
0x6f: {  	_ =	shalt  }
0x70: {  	_ =	shalt  }
0x71: {  	_ =	shalt  }
0x72: {  	_ =	shalt  }
0x73: {  	_ =	shalt  }
0x74: {  	_ =	shalt  }
0x75: {  	_ =	shalt  }
0x76: {  	_ =	shalt  }
0x77: {  	_ =	shalt  }
0x78: {  	_ =	shalt  }
0x79: {  	_ =	shalt  }
0x7a: {  	_ =	shalt  }
0x7b: {  	_ =	shalt  }
0x7c: {  	_ =	shalt  }
0x7d: {  	_ =	shalt  }
0x7e: {  	_ =	shalt  }
0x7f: {  	_ =	shalt  }
0x80: {  	_ =	shalt  }
0x81: {  	_ =	shalt  }
0x82: {  	_ =	shalt  }
0x83: {  	_ =	shalt  }
0x84: {  	_ =	shalt  }
0x85: {  	_ =	shalt  }
0x86: {  	_ =	shalt  }
0x87: {  	_ =	shalt  }
.Lfunc_end0:
.L_simem_size_0:
called_computation.2_lowered:
.L_overlay_start_0:
0x88: {  	s2 =	sld [smem:$0x3FD9]  }
0x89: {  	s3 =	sld [smem:$0x3FFE];
	_ =	sdelay $0x1  }
0x8a: {  	s1 =	srdreg.scid  }
0x8b: {  	s0 =	sand.u32 $0x1, s1  }
0x8c: {  	s17 =	sshll.u32 s0, $0xA;
	s2 =	sadd.s32 s3, s2  }
0x8d: {  	s2 =	sadd.s32 s2, s17  }
0x8e: {  	[smem:$0x3FBE] =	sst s2  }
0x8f: {  	_ = 	snop  }
0x90: {  	s2 =	sld [smem:$0x3FD0];
	(tm) =	ssettm $0x1  }
0x91: {  	s18 =	sld [smem:$0x3FFB];
	_ =	sdelay $0x3  }
0x92: {  	_ =	strace s18  }
0x93: {  	s3 =	sld [smem:$0x3FFC];
	_ =	sdelay $0x3  }
0x94: {  	_ =	strace s3  }
0x95: {  	s3 =	sld [smem:$0x3FFD];
	_ =	sdelay $0x3  }
0x96: {  	_ =	strace s3  }
0x97: {  	_ =	strace $0x8FFFFFFF  }
0x98: {  	s19 =	sld [smem:$0x3FDB];
	_ =	sdelay $0x1  }
0x99: {  	s4 =	simm.s32 $_scs_section_size  }
0x9a: {  	s5 =	simm.s32 $_size__tile_overlayer_lowered;
	s6 =	simm.s32 $_tile_overlayer_lowered  }
0x9b: {  	s22 =	simm.s32 $0x1BFF;
	s21 =	sshll.u32 s6, $0x1;
	s3 =	sadd.s32 s4, s19  }
0x9c: {  	s7 =	simm.s32 $0x0;
	s20 =	sshll.u32 s5, $0x1;
	s5 =	sadd.s32 s21, s3  }
0x9d: {  	[timem:s7], [sflag:s22] =	dma.local [hbm:s5], s20  }
0x9e: {  	_ =	swait.ge [sflag:s22], s20  }
0x9f: {  	s4 =	ssub.s32 $0x0, s20;
	[sflag:s22] =	ssyncset.done $0x0  }
0xa0: {  	[sflag:s22] =	ssyncadd.s32 s4;
	_ =	sdelay $0x1  }
0xa1: {  	s23 =	simm.s32 $0x1B8B  }
0xa2: {  	_ =	swait.ge [sflag:s23], $0x1  }
0xa3: {  	[sflag:s23] =	ssyncset.done $0x0  }
0xa4: {  	s25 =	simm.s32 $0x1B8E;
	s24 =	sld [smem:$0x3FFE];
	[sflag:s23] =	ssyncadd.s32 $0xFFFFFFFF  }
0xa5: {  	s26 =	simm.s32 $execute0_lowered;
	[smem:$0x3FD2] =	sst s25  }
0xa6: {  	s5 =	sshll.u32 s26, $0x1;
	_ =	strace $0x8000004C;
	[dreg:$0x1] =	wrdreg $0xFFFFFFFF  }
0xa7: {  	s28 =	simm.s32 $_size_execute0_lowered;
	s3 =	sadd.s32 s3, s5;
	[dreg:$0x0] =	wrdreg $0x0  }
0xa8: {  	s5 =	sshll.u32 s28, $0x1;
	[dreg:$0x2] =	wrdreg s3  }
0xa9: {  	[dreg:$0x3] =	wrdreg s5  }
0xaa: {  	[dreg:$0x4] =	wrdreg $0xC0  }
0xab: {  	_ =	task [dreg:s7], $0x5FFFF  }
0xac: {  	[dreg:$0x1] =	wrdreg $0xFFFFFFFF  }
0xad: {  	[dreg:$0x0] =	wrdreg $0x60  }
0xae: {  	[dreg:$0x2] =	wrdreg s24  }
0xaf: {  	[dreg:$0x3] =	wrdreg s2  }
0xb0: {  	[dreg:$0x4] =	wrdreg $0x124000  }
0xb1: {  	[dreg:$0x5] =	wrdreg $0x9  }
0xb2: {  	_ =	task.clear_ibuf [dreg:s7], $0x6FFFF;
	_ =	strace $0x9000004C  }
0xb3: {  	s29 =	simm.s32 $0x9;
	_ =	strace $0x8000004E  }
0xb4: {  	_ =	swait.ge [sflag:s29], $0x1  }
0xb5: {  	[sflag:s29] =	ssyncadd.s32 $0xFFFFFFFF  }
0xb6: {  	_ =	strace $0x9000004E  }
0xb7: {  	_ =	sfence  }
0xb8: {  	s30 =	sld [smem:$0x0];
	_ =	sdelay $0x2  }
0xb9: {  	s31 =	sshll.u32 s1, $0xD;
	s1 =	sshrl.u32 s1, $0x2  }
0xba: {  	s3 =	sand.u32 $0x4000, s31;
	s1 =	sadd.s32 s1, s30  }
0xbb: {  	s0 =	sor.u32 s3, s0;
	s1 =	sshll.u32 s1, $0x11  }
0xbc: {  	s0 =	sor.u32 s1, s0  }
0xbd: {  	s0 =	sadd.s32 $0x8F2B, s0  }
0xbe: {  	[sflag:s0] =	ssyncadd.remote.s32 $0x1  }
0xbf: {  	_ =	sfence.sel $0xFFFF  }
0xc0: {  	[dreg:$0x0] =	wrdreg $0xFFFFFFFF;
	(pc) =	sbr.abs _section_cstart, $3  }
0xc1: {  	[dreg:$0x1] =	wrdreg $0xFFFFFFFF  }
0xc2: {  	_ =	task.clear_ibuf [dreg:s7], $0x2FFFF;
	_ =	strace $0x9FFFFFFF  }
0xc3: {  	(tm) =	ssettm $0x7FFFFFFF  }
tec
execute0_lowered:
.L_overlay_start_1:
0x0: {  	(tag) =	ssettag $0x1  }
0x1: {  	s5 =	rddreg [dreg:$0x0]  }
0x2: {  	s7 =	rddreg [dreg:$0x1]  }
0x3: {  	s1 =	rddreg [dreg:$0x2]  }
0x4: {  	s0 =	rddreg [dreg:$0x3];
	s3 =	simm.s32 $0x0;
	s4 =	srdreg.scid  }
0x5: {  	s2 =	stileid.u32;
	s12 =	simm.s32 $0x200;
	s13 =	simm.s32 $0x80  }
0x6: {  	s14 =	simm.s32 $0x400;
	s15 =	simm.s32 $0x4400;
	s16 =	simm.s32 $0x100  }
0x7: {  	s17 =	simm.s32 $0x8400;
	s18 =	simm.s32 $0x180;
	s19 =	simm.s32 $0xC400  }
0x8: {  	s20 =	simm.s32 $0x1;
	s21 =	simm.s32 $0x2;
	s22 =	simm.s32 $0x280  }
0x9: {  	s23 =	simm.s32 $0x3;
	s24 =	simm.s32 $0x300;
	s25 =	simm.s32 $0x4  }
0xa: {  	s26 =	simm.s32 $0x380;
	s28 =	simm.s32 $0x0;
	[smem:$0x7FF] =	sst s3  }
0xb: {  	s8 =	sand.u32 $0x1, s4;
	s6 =	sshll.u32 s2, $0x7;
	s4 =	sadd.s32 $0x3000, s5  }
0xc: {  	s31 =	sshll.u32 s2, $0xD;
	s11 =	sshll.u32 s2, $0xA;
	_ =	strace $0x8000004D  }
0xd: {  	s9 =	sshll.u32 s8, $0x6;
	s29 =	ssub.s32 $0x2, s8;
	s8 =	sshll.u32 s8, $0xE  }
0xe: {  	s11 =	sadd.s32 s7, s11;
	s6 =	sor.u32 s9, s6;
	s30 =	sshrl.u32 s29, $0x1  }
0xf: {  	s8 =	sadd.s32 s8, s11;
	s11 =	simm.s32 $0x5;
	s10 =	sadd.s32 s6, s5  }
0x10: {  	s9 =	ssub.s32 s29, s30;
	s5 =	sadd.s32 s31, s1;
	s6 =	sadd.s32 $0x30800, s10  }
0x11: {  	v0 =	vimm.f32 $0.0e+00;
	s7 =	sadd.s32 $0x30000, s10;
	s9 =	smax.u32 s9, $0x1;
	s10 =	simm.s32 $0x10400  }
.LBB2_1:
0x12: {  	s29 =	simm.s32 $0x0;
	s30 =	simm.s32 $0x200  }
.LBB2_2:
0x13: {  	p0 =	sne.s32 s30, $0x7E00;
	[tilespmem:s29+$0x10470] =	vst v0  }
0x14: {  	[tilespmem:s29+$0x10400] =	vst v0  }
0x15: {  	[tilespmem:s29+$0x10410] =	vst v0  }
.Ltmp0:
0x16: {  	[tilespmem:s29+$0x10420] =	vst v0;
	(pc) =	sbr.rel @p0 .LBB2_2-.Ltmp0, $4  }
0x17: {  	[tilespmem:s29+$0x10430] =	vst v0  }
0x18: {  	[tilespmem:s29+$0x10440] =	vst v0  }
0x19: {  	[tilespmem:s29+$0x10450] =	vst v0  }
0x1a: {  	[tilespmem:s29+$0x10460] =	vst v0;
	s29 =	sshra.s32 s30, $0x2;
	s30 =	sadd.s32 $0x200, s30  }
0x1b: {  	[tilespmem:s29+$0x10470] =	vst v0  }
0x1c: {  	[tilespmem:s29+$0x10400] =	vst v0  }
0x1d: {  	[tilespmem:s29+$0x10410] =	vst v0  }
0x1e: {  	[tilespmem:s29+$0x10420] =	vst v0  }
0x1f: {  	[tilespmem:s29+$0x10430] =	vst v0  }
0x20: {  	[tilespmem:s29+$0x10440] =	vst v0  }
0x21: {  	[tilespmem:s29+$0x10450] =	vst v0  }
0x22: {  	[tilespmem:s29+$0x10460] =	vst v0  }
0x23: {  	[spmem:s5] =	stream.linear.scatter [tilespmem:s10], [sflag:$0x5], $0x2000, $0x38;
	[tilespmem:$0x14400] =	vst v63  }
0x24: {  	_ =	swait.ge [sflag:s11], $0x2000  }
0x25: {  	[sflag:s11] =	ssyncset.done $0x0  }
0x26: {  	[sflag:s11] =	ssyncadd.s32 $0xFFFFE000  }
0x27: {  	[tilespmem:s3], [sflag:$0x5] =	stream.linear.gather [hbm4b:s6+s3], $0x200, $0x38;
	[tilespmem:$0x14400] =	vst v63  }
0x28: {  	_ =	swait.ge [sflag:s11], $0x200  }
0x29: {  	[sflag:s11] =	ssyncset.done $0x0  }
0x2a: {  	[sflag:s11] =	ssyncadd.s32 $0xFFFFFE00  }
0x2b: {  	[tilespmem:s12], [sflag:$0x5] =	stream.linear.gather [hbm4b:s7+s3], $0x200, $0x38;
	[tilespmem:$0x14400] =	vst v63  }
0x2c: {  	_ =	swait.ge [sflag:s11], $0x200  }
0x2d: {  	[sflag:s11] =	ssyncset.done $0x0  }
0x2e: {  	[sflag:s11] =	ssyncadd.s32 $0xFFFFFE00  }
0x2f: {  	[bflag:$0x0] =	sbarrier.arrive $0xFFFF  }
0x30: {  	[tilespmem:s14], [sflag:$0x1] =	stream.indirect.gather [hbm4b:s4+s13], $0x80, s3, s13, $0xb8;
	[tilespmem:$0x14400] =	vst v63  }
0x31: {  	_ = 	snop  }
0x32: {  	[tilespmem:s15], [sflag:$0x2] =	stream.indirect.gather [hbm4b:s4+s13], $0x80, s13, s13, $0xb8;
	[tilespmem:$0x14400] =	vst v63  }
0x33: {  	_ = 	snop  }
0x34: {  	[tilespmem:s17], [sflag:$0x3] =	stream.indirect.gather [hbm4b:s4+s13], $0x80, s16, s13, $0xb8;
	[tilespmem:$0x14400] =	vst v63  }
0x35: {  	_ = 	snop  }
0x36: {  	[tilespmem:s19], [sflag:$0x4] =	stream.indirect.gather [hbm4b:s4+s13], $0x80, s18, s13, $0xb8;
	[tilespmem:$0x14400] =	vst v63  }
0x37: {  	_ =	swait.ge [sflag:s20], $0x4000  }
0x38: {  	[sflag:s20] =	ssyncset.done $0x0  }
0x39: {  	[sflag:s20] =	ssyncadd.s32 $0xFFFFC000  }
0x3a: {  	[spmem:s1] =	stream.indirect.scatter.add.f32 [tilespmem:s14], [sflag:$0x5], $0x80, s12, s13, $0xb8;
	[tilespmem:$0x14400] =	vst v63  }
0x3b: {  	_ =	swait.ge [sflag:s11], $0x4000  }
0x3c: {  	[sflag:s11] =	ssyncset.done $0x0  }
0x3d: {  	[sflag:s11] =	ssyncadd.s32 $0xFFFFC000  }
0x3e: {  	_ =	swait.ge [sflag:s21], $0x4000  }
0x3f: {  	[sflag:s21] =	ssyncset.done $0x0  }
0x40: {  	[sflag:s21] =	ssyncadd.s32 $0xFFFFC000  }
0x41: {  	[spmem:s1] =	stream.indirect.scatter.add.f32 [tilespmem:s15], [sflag:$0x5], $0x80, s22, s13, $0xb8;
	[tilespmem:$0x14400] =	vst v63  }
0x42: {  	_ =	swait.ge [sflag:s11], $0x4000  }
0x43: {  	[sflag:s11] =	ssyncset.done $0x0  }
0x44: {  	[sflag:s11] =	ssyncadd.s32 $0xFFFFC000  }
0x45: {  	_ =	swait.ge [sflag:s23], $0x4000  }
0x46: {  	[sflag:s23] =	ssyncset.done $0x0  }
0x47: {  	[sflag:s23] =	ssyncadd.s32 $0xFFFFC000  }
0x48: {  	[spmem:s1] =	stream.indirect.scatter.add.f32 [tilespmem:s17], [sflag:$0x5], $0x80, s24, s13, $0xb8;
	[tilespmem:$0x14400] =	vst v63  }
0x49: {  	_ =	swait.ge [sflag:s11], $0x4000  }
0x4a: {  	[sflag:s11] =	ssyncset.done $0x0  }
0x4b: {  	[sflag:s11] =	ssyncadd.s32 $0xFFFFC000  }
0x4c: {  	_ =	swait.ge [sflag:s25], $0x4000  }
0x4d: {  	[sflag:s25] =	ssyncset.done $0x0  }
0x4e: {  	[sflag:s25] =	ssyncadd.s32 $0xFFFFC000  }
0x4f: {  	[spmem:s1] =	stream.indirect.scatter.add.f32 [tilespmem:s19], [sflag:$0x5], $0x80, s26, s13, $0xb8;
	[tilespmem:$0x14400] =	vst v63  }
0x50: {  	_ =	swait.ge [sflag:s11], $0x4000  }
0x51: {  	s31 =	sshll.u32 s2, $0x6;
	s28 =	sadd.s32 $0x1, s28;
	[sflag:s11] =	ssyncset.done $0x0  }
0x52: {  	s30 =	sshrl.u32 s5, $0x3;
	p0 =	sne.s32 s28, s9;
	[sflag:s11] =	ssyncadd.s32 $0xFFFFC000  }
.Ltmp1:
0x53: {  	s29 =	sor.u32 $0x1C05, s31;
	[bflag:$0x0] =	sbarrier.arrive $0xFFFF;
	(pc) =	sbr.rel @p0 .LBB2_1-.Ltmp1, $4  }
0x54: {  	[hbm:s8], [sflag:s29] =	dma.local [spmem:s30], $0x400  }
0x55: {  	_ =	swait.ge [sflag:s11], $0x400  }
0x56: {  	[sflag:s11] =	ssyncset.done $0x0  }
0x57: {  	[sflag:s11] =	ssyncadd.s32 $0xFFFFFC00  }
0x58: {  	_ =	sfence.sel $0x180000  }
0x59: {  	[bflag:$0x0] =	sbarrier.arrive $0xFFFF  }
0x5a: {  	p0 =	sne.s32 s2, $0x0;
	_ =	strace $0x9000004D  }
0x5b: {  	s0 =	sadd.s32 @!p0 $0x100000, s0;
	[bflag:$0x2] =	sbarrier.arrive $0xFFFF  }
0x5c: {  	[sflag:s0] =	ssyncadd.tile.s32 @!p0 $0x1;
	_ =	shalt  }
.Lfunc_end2:
_tile_overlayer_lowered:
.L_overlay_start_2:
0x5d: {  	(tag) =	ssettag $0x2  }
0x5e: {  	s0 =	rddreg [dreg:$0x0];
	s2 =	stileid.u32  }
0x5f: {  	s1 =	rddreg [dreg:$0x1];
	p0 =	sne.s32 s2, $0x0  }
0x60: {  	s3 =	rddreg [dreg:$0x2];
	[bflag:$0x3] =	sbarrier.arrive $0xFFFF;
	s2 =	simm.s32 @!p0 $0x1C05  }
0x61: {  	[timem:s3], [sflag:s2] =	dma.local @!p0 [hbm:s0], s1  }
0x62: {  	s0 =	simm.s32 @!p0 $0x5  }
0x63: {  	_ =	swait.ge @!p0 [sflag:s0], s1  }
0x64: {  	s1 =	ssub.s32 @!p0 $0x0, s1;
	[sflag:s0] =	ssyncset.done @!p0 $0x0  }
0x65: {  	[sflag:s0] =	ssyncadd.s32 @!p0 s1  }
0x66: {  	[bflag:$0x3] =	sbarrier.arrive $0xFFFF  }
0x67: {  	_ =	shalt  }

// kernel: kernel.8.cloned.1.call-start
scs
__scs_entry_jumppad:
0x0: {  	(pc) =	sbr.rel $0x88, $3  }
0x1: {  	(tag) =	ssettag $0x0;
	lr =	simm.s32 $0x1  }
0x2: {  	[smem:$0x3F97] =	sst lr;
	_ =	strace $0xD0000000  }
0x3: {  	_ = 	snop  }
0x4: {  	_ = 	snop  }
0x5: {  	_ = 	snop  }
0x6: {  	_ = 	snop  }
0x7: {  	_ = 	snop  }
__scs_overlays_trampoline_lowered:
0x8: {  	[smem:$0x3FA6] =	sst s0  }
0x9: {  	[smem:$0x3FA7] =	sst s1  }
0xa: {  	[smem:$0x3FA8] =	sst s2  }
0xb: {  	[smem:$0x3FA9] =	sst s3  }
0xc: {  	[smem:$0x3FAA] =	sst s4  }
0xd: {  	[smem:$0x3FAB] =	sst s5  }
0xe: {  	[smem:$0x3FAC] =	sst s6  }
0xf: {  	[smem:$0x3FAD] =	sst s7  }
0x10: {  	[smem:$0x3FAE] =	sst s8  }
0x11: {  	[smem:$0x3FAF] =	sst s9;
	s0 =	simm.s32 @!p0 $0x0  }
0x12: {  	s1 =	sld [smem:$0x3F95];
	s0 =	simm.s32 @p0 $0x1  }
0x13: {  	[smem:$0x3FB0] =	sst s0;
	s0 =	simm.s32 @!p1 $0x0  }
0x14: {  	s2 =	sld [smem:$0x3F94];
	s0 =	simm.s32 @p1 $0x1  }
0x15: {  	[smem:$0x3FB1] =	sst s0;
	s0 =	simm.s32 @!p2 $0x0  }
0x16: {  	s3 =	sld [smem:$0x3FDB];
	s0 =	simm.s32 @p2 $0x1  }
0x17: {  	s4 =	simm.s32 $0x1BF5;
	[smem:$0x3FB3] =	sst s0  }
0x18: {  	s0 =	sld [smem:$0x3F96];
	_ =	swait.ge [sflag:s4], $0x0  }
0x19: {  	s7 =	sld [smem:$0x3F97]  }
0x1a: {  	s8 =	sadd.s32 $0xFFFFE003, lr  }
0x1b: {  	s9 =	sadd.s32 $0xFFFFFEF7, lr;
	s5 =	simm.s32 $0xFFFFFFFF;
	p2 =	slt.u32 s8, $0xFFFFF086  }
0x1c: {  	p1 =	slt.u32 s9, $0xF7A;
	s5 =	simm.s32 @!p2 $0x0  }
0x1d: {  	s5 =	simm.s32 @p1 $0x1;
	p0 =	seq.s32 s7, s2  }
0x1e: {  	s7 =	smul.u32 @!p0 $0xF7A, s2;
	p2 =	seq.s32 @!p0 s5, $0x0  }
0x1f: {  	s9 =	smul.u32 $0xF7A, s1;
	s8 =	simm.s32 @!p0 $0x1BF5;
	p2 =	por !p2, p0  }
0x20: {  	[sflag:s8] =	ssyncset.s32 @!p0 $0xFFFFF086;
	s6 =	sadd.s32 @!p0 s3, s7;
	s7 =	simm.s32 @!p0 $0x108  }
0x21: {  	s3 =	sadd.s32 s3, s9;
	s6 =	sadd.s32 @!p0 $0x88, s6;
	s7 =	simm.s32 @p2 $0x1082  }
0x22: {  	[simem:s7], [sflag:s8] =	dma.local @!p0 [hbm:s6], $0xF7A  }
0x23: {  	s9 =	sor.u32 $0xD0000000, s2;
	s6 =	simm.s32 $0x108;
	_ =	swait.ge @!p0 [sflag:s8], $0x0  }
0x24: {  	s3 =	sadd.s32 $0x88, s3;
	s6 =	simm.s32 @!p1 $0x1082;
	[sflag:s4] =	ssyncset.s32 $0xFFFFF086  }
0x25: {  	[simem:s6], [sflag:s4] =	dma.local [hbm:s3], $0xF7A  }
0x26: {  	[smem:$0x3F97] =	sst s1;
	(tag) =	ssettag s2;
	_ =	strace s9  }
0x27: {  	s1 =	sld [smem:$0x3FA7]  }
0x28: {  	s2 =	sld [smem:$0x3FA8]  }
0x29: {  	s4 =	sld [smem:$0x3FAA]  }
0x2a: {  	p0 =	seq.s32 s5, $0x0;
	s5 =	sld [smem:$0x3FAB]  }
0x2b: {  	s6 =	sld [smem:$0x3FAC]  }
0x2c: {  	s7 =	sld [smem:$0x3FAD]  }
0x2d: {  	s3 =	simm.s32 $0x108;
	s8 =	sld [smem:$0x3FAE]  }
0x2e: {  	s3 =	simm.s32 @!p0 $0x1082;
	s9 =	sld [smem:$0x3FAF]  }
0x2f: {  	lr =	sadd.s32 s0, s3;
	s0 =	sld [smem:$0x3FA6]  }
0x30: {  	s3 =	sld [smem:$0x3FA9]  }
0x31: {  	[smem:$0x3FB2] =	sst s10  }
0x32: {  	s10 =	sld [smem:$0x3FB0];
	_ =	sdelay $0x3  }
0x33: {  	p0 =	seq.s32 s10, $0x1;
	s10 =	sld [smem:$0x3FB2];
	_ =	sdelay $0x3  }
0x34: {  	[smem:$0x3FB2] =	sst s10  }
0x35: {  	s10 =	sld [smem:$0x3FB1];
	_ =	sdelay $0x3  }
0x36: {  	p1 =	seq.s32 s10, $0x1;
	s10 =	sld [smem:$0x3FB2];
	_ =	sdelay $0x3  }
0x37: {  	[smem:$0x3FB2] =	sst s10  }
0x38: {  	s10 =	sld [smem:$0x3FB3]  }
0x39: {  	_ = 	snop;
	(pc) =	sbr.ind lr, $3  }
0x3a: {  	_ = 	snop  }
0x3b: {  	_ = 	snop  }
0x3c: {  	p2 =	seq.s32 s10, $0x1;
	s10 =	sld [smem:$0x3FB2]  }
0x3d: {  	_ =	shalt  }
0x3e: {  	_ =	shalt  }
0x3f: {  	_ =	shalt  }
0x40: {  	_ =	shalt  }
0x41: {  	_ =	shalt  }
0x42: {  	_ =	shalt  }
0x43: {  	_ =	shalt  }
0x44: {  	_ =	shalt  }
0x45: {  	_ =	shalt  }
0x46: {  	_ =	shalt  }
0x47: {  	_ =	shalt  }
0x48: {  	_ =	shalt  }
0x49: {  	_ =	shalt  }
0x4a: {  	_ =	shalt  }
0x4b: {  	_ =	shalt  }
0x4c: {  	_ =	shalt  }
0x4d: {  	_ =	shalt  }
0x4e: {  	_ =	shalt  }
0x4f: {  	_ =	shalt  }
0x50: {  	_ =	shalt  }
0x51: {  	_ =	shalt  }
0x52: {  	_ =	shalt  }
0x53: {  	_ =	shalt  }
0x54: {  	_ =	shalt  }
0x55: {  	_ =	shalt  }
0x56: {  	_ =	shalt  }
0x57: {  	_ =	shalt  }
0x58: {  	_ =	shalt  }
0x59: {  	_ =	shalt  }
0x5a: {  	_ =	shalt  }
0x5b: {  	_ =	shalt  }
0x5c: {  	_ =	shalt  }
0x5d: {  	_ =	shalt  }
0x5e: {  	_ =	shalt  }
0x5f: {  	_ =	shalt  }
0x60: {  	_ =	shalt  }
0x61: {  	_ =	shalt  }
0x62: {  	_ =	shalt  }
0x63: {  	_ =	shalt  }
0x64: {  	_ =	shalt  }
0x65: {  	_ =	shalt  }
0x66: {  	_ =	shalt  }
0x67: {  	_ =	shalt  }
0x68: {  	_ =	shalt  }
0x69: {  	_ =	shalt  }
0x6a: {  	_ =	shalt  }
0x6b: {  	_ =	shalt  }
0x6c: {  	_ =	shalt  }
0x6d: {  	_ =	shalt  }
0x6e: {  	_ =	shalt  }
0x6f: {  	_ =	shalt  }
0x70: {  	_ =	shalt  }
0x71: {  	_ =	shalt  }
0x72: {  	_ =	shalt  }
0x73: {  	_ =	shalt  }
0x74: {  	_ =	shalt  }
0x75: {  	_ =	shalt  }
0x76: {  	_ =	shalt  }
0x77: {  	_ =	shalt  }
0x78: {  	_ =	shalt  }
0x79: {  	_ =	shalt  }
0x7a: {  	_ =	shalt  }
0x7b: {  	_ =	shalt  }
0x7c: {  	_ =	shalt  }
0x7d: {  	_ =	shalt  }
0x7e: {  	_ =	shalt  }
0x7f: {  	_ =	shalt  }
0x80: {  	_ =	shalt  }
0x81: {  	_ =	shalt  }
0x82: {  	_ =	shalt  }
0x83: {  	_ =	shalt  }
0x84: {  	_ =	shalt  }
0x85: {  	_ =	shalt  }
0x86: {  	_ =	shalt  }
0x87: {  	_ =	shalt  }
.Lfunc_end0:
.L_simem_size_0:
called_computation_lowered:
.L_overlay_start_0:
0x88: {  	s2 =	sld [smem:$0x3FD9]  }
0x89: {  	s3 =	sld [smem:$0x3FFE];
	_ =	sdelay $0x1  }
0x8a: {  	s1 =	srdreg.scid  }
0x8b: {  	s0 =	sand.u32 $0x1, s1  }
0x8c: {  	s17 =	sshll.u32 s0, $0xA;
	s2 =	sadd.s32 s3, s2  }
0x8d: {  	s2 =	sadd.s32 s2, s17  }
0x8e: {  	[smem:$0x3FBE] =	sst s2  }
0x8f: {  	_ = 	snop  }
0x90: {  	s2 =	sld [smem:$0x3FC9]  }
0x91: {  	s18 =	sld [smem:$0x3FD0];
	(tm) =	ssettm $0x1  }
0x92: {  	s4 =	sld [smem:$0x3FFB];
	_ =	sdelay $0x3  }
0x93: {  	_ =	strace s4  }
0x94: {  	s4 =	sld [smem:$0x3FFC];
	_ =	sdelay $0x3  }
0x95: {  	_ =	strace s4  }
0x96: {  	s4 =	sld [smem:$0x3FFD];
	_ =	sdelay $0x3  }
0x97: {  	_ =	strace s4  }
0x98: {  	_ =	strace $0x8FFFFFFF  }
0x99: {  	s19 =	sld [smem:$0x3FDB];
	_ =	sdelay $0x1  }
0x9a: {  	s5 =	simm.s32 $_scs_section_size  }
0x9b: {  	s6 =	simm.s32 $_size__tile_overlayer_lowered;
	s7 =	simm.s32 $_tile_overlayer_lowered  }
0x9c: {  	s22 =	simm.s32 $0x1BFF;
	s21 =	sshll.u32 s7, $0x1;
	s4 =	sadd.s32 s5, s19  }
0x9d: {  	s8 =	simm.s32 $0x0;
	s20 =	sshll.u32 s6, $0x1;
	s6 =	sadd.s32 s21, s4  }
0x9e: {  	[timem:s8], [sflag:s22] =	dma.local [hbm:s6], s20  }
0x9f: {  	_ =	swait.ge [sflag:s22], s20  }
0xa0: {  	s5 =	ssub.s32 $0x0, s20;
	[sflag:s22] =	ssyncset.done $0x0  }
0xa1: {  	[sflag:s22] =	ssyncadd.s32 s5;
	_ =	sdelay $0x1  }
0xa2: {  	s23 =	simm.s32 $0x1B8B  }
0xa3: {  	_ =	swait.ge [sflag:s23], $0x1  }
0xa4: {  	[sflag:s23] =	ssyncset.done $0x0  }
0xa5: {  	s25 =	simm.s32 $0x1B8E;
	s24 =	sld [smem:$0x3FFE];
	[sflag:s23] =	ssyncadd.s32 $0xFFFFFFFF  }
0xa6: {  	s26 =	simm.s32 $execute0_lowered;
	[smem:$0x3FD2] =	sst s25  }
0xa7: {  	s6 =	sshll.u32 s26, $0x1;
	_ =	strace $0x80000046;
	[dreg:$0x1] =	wrdreg $0xFFFFFFFF  }
0xa8: {  	s28 =	simm.s32 $_size_execute0_lowered;
	s4 =	sadd.s32 s4, s6;
	[dreg:$0x0] =	wrdreg $0x0  }
0xa9: {  	s6 =	sshll.u32 s28, $0x1;
	[dreg:$0x2] =	wrdreg s4  }
0xaa: {  	[dreg:$0x3] =	wrdreg s6  }
0xab: {  	[dreg:$0x4] =	wrdreg $0xC0  }
0xac: {  	_ =	task [dreg:s8], $0x5FFFF  }
0xad: {  	[dreg:$0x1] =	wrdreg $0xFFFFFFFF  }
0xae: {  	[dreg:$0x0] =	wrdreg $0x60  }
0xaf: {  	[dreg:$0x2] =	wrdreg s2  }
0xb0: {  	[dreg:$0x3] =	wrdreg s18  }
0xb1: {  	[dreg:$0x4] =	wrdreg s24  }
0xb2: {  	[dreg:$0x5] =	wrdreg $0x9  }
0xb3: {  	_ =	task.clear_ibuf [dreg:s8], $0x6FFFF;
	_ =	strace $0x90000046  }
0xb4: {  	s29 =	simm.s32 $0x9;
	_ =	strace $0x80000048  }
0xb5: {  	_ =	swait.ge [sflag:s29], $0x1  }
0xb6: {  	[sflag:s29] =	ssyncadd.s32 $0xFFFFFFFF  }
0xb7: {  	_ =	strace $0x90000048  }
0xb8: {  	_ =	sfence  }
0xb9: {  	s30 =	sld [smem:$0x0];
	_ =	sdelay $0x2  }
0xba: {  	s31 =	sshll.u32 s1, $0xD;
	s1 =	sshrl.u32 s1, $0x2  }
0xbb: {  	s3 =	sand.u32 $0x4000, s31;
	s1 =	sadd.s32 s1, s30  }
0xbc: {  	s0 =	sor.u32 s3, s0;
	s1 =	sshll.u32 s1, $0x11  }
0xbd: {  	s0 =	sor.u32 s1, s0  }
0xbe: {  	s0 =	sadd.s32 $0x8F2B, s0  }
0xbf: {  	[sflag:s0] =	ssyncadd.remote.s32 $0x1  }
0xc0: {  	_ =	sfence.sel $0xFFFF  }
0xc1: {  	[dreg:$0x0] =	wrdreg $0xFFFFFFFF;
	(pc) =	sbr.abs _section_cstart, $3  }
0xc2: {  	[dreg:$0x1] =	wrdreg $0xFFFFFFFF  }
0xc3: {  	_ =	task.clear_ibuf [dreg:s8], $0x2FFFF;
	_ =	strace $0x9FFFFFFF  }
0xc4: {  	(tm) =	ssettm $0x7FFFFFFF  }
0xc5: {  	_ =	shalt  }
tec
execute0_lowered:
.L_overlay_start_1:
0x0: {  	(tag) =	ssettag $0x1  }
0x1: {  	s1 =	rddreg [dreg:$0x0]  }
0x2: {  	s6 =	rddreg [dreg:$0x1];
	s2 =	srdreg.scid  }
0x3: {  	s0 =	stileid.u32;
	s5 =	rddreg [dreg:$0x2];
	s3 =	simm.s32 $0x0  }
0x4: {  	s11 =	simm.s32 $0xC00;
	s12 =	simm.s32 $0x1400;
	s13 =	simm.s32 $0x1C00  }
0x5: {  	s14 =	simm.s32 $0x2400;
	s15 =	simm.s32 $0x2C00;
	s16 =	simm.s32 $0x3400  }
0x6: {  	s17 =	simm.s32 $0x3C00;
	s18 =	simm.s32 $0x4400;
	s19 =	simm.s32 $0x4C00  }
0x7: {  	s20 =	simm.s32 $0x5400;
	s21 =	simm.s32 $0x5C00;
	s22 =	simm.s32 $0x6400  }
0x8: {  	s23 =	simm.s32 $0x6C00;
	s24 =	simm.s32 $0x7400;
	s25 =	simm.s32 $0x7C00  }
0x9: {  	s26 =	simm.s32 $0x2;
	s7 =	sand.u32 $0x1, s2;
	s4 =	sshll.u32 s0, $0x1  }
0xa: {  	s28 =	simm.s32 $0x1;
	s29 =	simm.s32 $0x0;
	s8 =	sor.u32 s7, s4  }
0xb: {  	[smem:$0x7FF] =	sst s3;
	s7 =	ssub.s32 $0x2, s7;
	s4 =	smul.u32 $0x14000, s8  }
0xc: {  	s5 =	sadd.s32 $0x3000, s5;
	_ =	strace $0x80000047;
	s10 =	sshrl.u32 s7, $0x1  }
0xd: {  	v2 =	vlaneseq.u32;
	s8 =	sshll.u32 s8, $0x7;
	s10 =	ssub.s32 s7, s10;
	s9 =	sshrl.u32 s4, $0x3  }
0xe: {  	vm0 =	vmmov $0xffff;
	v1 =	vshrl.u32 v2, $0x3;
	s6 =	sadd.s32 s6, s8;
	s8 =	smax.u32 s10, $0x1;
	s9 =	sadd.s32 s5, s9  }
0xf: {  	v0 =	vand.u32 $0x7, v2;
	v2 =	vor.u32 $0x8, v2;
	v1 =	vmul.u32 $0x8, v1;
	s10 =	simm.s32 $0x400;
	s7 =	sadd.s32 $0x2000, s9;
	s9 =	simm.s32 $0x3  }
.LBB2_1:
0x10: {  	[tilespmem:s3], [sflag:$0x3] =	stream.linear.gather [hbm4b:s6+s3], $0x280, $0x38;
	[tilespmem:$0x8400] =	vst v63  }
0x11: {  	_ =	swait.ge [sflag:s9], $0x280  }
0x12: {  	[sflag:s9] =	ssyncset.done $0x0  }
0x13: {  	[sflag:s9] =	ssyncadd.s32 $0xFFFFFD80  }
0x14: {  	v3 =	vld [tilespmem:$0x0];
	_ =	sdelay $0x4  }
0x15: {  	v4 =	vshll.u32 v3, $0x1  }
0x16: {  	v3 =	vand.u32 $0x7, v3;
	v4 =	vand.u32 $0xFFFFFFF0, v4  }
0x17: {  	v3 =	vor.u32 v3, v4  }
0x18: {  	v4 =	vperm.xlane v3, v0;
	_ =	sdelay $0x1  }
0x19: {  	v3 =	vperm.xlane v3, v2;
	v4 =	vadd.s32 v1, v4;
	_ =	sdelay $0x1  }
0x1a: {  	v3 =	vadd.s32 v1, v3;
	_ =	sdelay $0x2  }
0x1b: {  	[tilespmem:s10], [sflag:$0x1] =	stream.indirect_vreg.gather [hbm4b:s1+s3], $0x80, v4, vm0, $0xb8;
	[tilespmem:$0x8400] =	vst v63  }
0x1c: {  	_ = 	snop  }
0x1d: {  	[tilespmem:s11], [sflag:$0x1] =	stream.indirect_vreg.gather [hbm4b:s1+s3], $0x80, v3, vm0, $0xb8;
	[tilespmem:$0x8400] =	vst v63  }
0x1e: {  	v3 =	vld [tilespmem:$0x10];
	_ =	sdelay $0x4  }
0x1f: {  	v61 =	vshll.u32 v3, $0x1  }
0x20: {  	v3 =	vand.u32 $0x7, v3;
	v4 =	vand.u32 $0xFFFFFFF0, v61  }
0x21: {  	v3 =	vor.u32 v3, v4  }
0x22: {  	v4 =	vperm.xlane v3, v0;
	_ =	sdelay $0x1  }
0x23: {  	v3 =	vperm.xlane v3, v2;
	v4 =	vadd.s32 v1, v4;
	_ =	sdelay $0x1  }
0x24: {  	v3 =	vadd.s32 v1, v3;
	_ =	sdelay $0x2  }
0x25: {  	[tilespmem:s12], [sflag:$0x1] =	stream.indirect_vreg.gather [hbm4b:s1+s3], $0x80, v4, vm0, $0xb8;
	[tilespmem:$0x8400] =	vst v63  }
0x26: {  	_ = 	snop  }
0x27: {  	[tilespmem:s13], [sflag:$0x1] =	stream.indirect_vreg.gather [hbm4b:s1+s3], $0x80, v3, vm0, $0xb8;
	[tilespmem:$0x8400] =	vst v63  }
0x28: {  	v3 =	vld [tilespmem:$0x20];
	_ =	sdelay $0x4  }
0x29: {  	v62 =	vshll.u32 v3, $0x1  }
0x2a: {  	v3 =	vand.u32 $0x7, v3;
	v4 =	vand.u32 $0xFFFFFFF0, v62  }
0x2b: {  	v3 =	vor.u32 v3, v4  }
0x2c: {  	v4 =	vperm.xlane v3, v0;
	_ =	sdelay $0x1  }
0x2d: {  	v3 =	vperm.xlane v3, v2;
	v4 =	vadd.s32 v1, v4;
	_ =	sdelay $0x1  }
0x2e: {  	v3 =	vadd.s32 v1, v3;
	_ =	sdelay $0x2  }
0x2f: {  	[tilespmem:s14], [sflag:$0x1] =	stream.indirect_vreg.gather [hbm4b:s1+s3], $0x80, v4, vm0, $0xb8;
	[tilespmem:$0x8400] =	vst v63  }
0x30: {  	_ = 	snop  }
0x31: {  	[tilespmem:s15], [sflag:$0x1] =	stream.indirect_vreg.gather [hbm4b:s1+s3], $0x80, v3, vm0, $0xb8;
	[tilespmem:$0x8400] =	vst v63  }
0x32: {  	v3 =	vld [tilespmem:$0x30];
	_ =	sdelay $0x4  }
0x33: {  	v63 =	vshll.u32 v3, $0x1  }
0x34: {  	v3 =	vand.u32 $0x7, v3;
	v4 =	vand.u32 $0xFFFFFFF0, v63  }
0x35: {  	v3 =	vor.u32 v3, v4  }
0x36: {  	v4 =	vperm.xlane v3, v0;
	_ =	sdelay $0x1  }
0x37: {  	v3 =	vperm.xlane v3, v2;
	v4 =	vadd.s32 v1, v4;
	_ =	sdelay $0x1  }
0x38: {  	v3 =	vadd.s32 v1, v3;
	_ =	sdelay $0x2  }
0x39: {  	[tilespmem:s16], [sflag:$0x1] =	stream.indirect_vreg.gather [hbm4b:s1+s3], $0x80, v4, vm0, $0xb8;
	[tilespmem:$0x8400] =	vst v63  }
0x3a: {  	p0 =	por $0x1, $0x1;
	s31 =	simm.s32 $0x0  }
0x3b: {  	[tilespmem:s17], [sflag:$0x1] =	stream.indirect_vreg.gather [hbm4b:s1+s3], $0x80, v3, vm0, $0xb8;
	[tilespmem:$0x8400] =	vst v63  }
.LBB2_2:
0x3c: {  	s30 =	sshllo.u32 s31, $0x1  }
0x3d: {  	s2 =	sshll.u32 s30, $0x7  }
0x3e: {  	s2 =	sand.u32 $0x3FFFFF80, s2  }
0x3f: {  	v3 =	vld [tilespmem:s2+$0x0];
	_ =	sdelay $0x4  }
0x40: {  	v4 =	vshll.u32 v3, $0x1  }
0x41: {  	v3 =	vand.u32 $0x7, v3;
	v4 =	vand.u32 $0xFFFFFFF0, v4  }
0x42: {  	v3 =	vor.u32 v3, v4  }
0x43: {  	v4 =	vperm.xlane v3, v0;
	_ =	sdelay $0x1  }
0x44: {  	v3 =	vperm.xlane v3, v2;
	v4 =	vadd.s32 v1, v4;
	_ =	sdelay $0x1  }
0x45: {  	v3 =	vadd.s32 v1, v3;
	_ =	sdelay $0x2  }
0x46: {  	[tilespmem:s18], [sflag:$0x2] =	stream.indirect_vreg.gather [hbm4b:s1+s3], $0x80, v4, vm0, $0xb8;
	[tilespmem:$0x8400] =	vst v63  }
0x47: {  	_ = 	snop  }
0x48: {  	[tilespmem:s19], [sflag:$0x2] =	stream.indirect_vreg.gather [hbm4b:s1+s3], $0x80, v3, vm0, $0xb8;
	[tilespmem:$0x8400] =	vst v63  }
0x49: {  	v3 =	vld [tilespmem:s2+$0x10];
	_ =	sdelay $0x4  }
0x4a: {  	v57 =	vshll.u32 v3, $0x1  }
0x4b: {  	v3 =	vand.u32 $0x7, v3;
	v4 =	vand.u32 $0xFFFFFFF0, v57  }
0x4c: {  	v3 =	vor.u32 v3, v4  }
0x4d: {  	v4 =	vperm.xlane v3, v0;
	_ =	sdelay $0x1  }
0x4e: {  	v3 =	vperm.xlane v3, v2;
	v4 =	vadd.s32 v1, v4;
	_ =	sdelay $0x1  }
0x4f: {  	v3 =	vadd.s32 v1, v3;
	_ =	sdelay $0x2  }
0x50: {  	[tilespmem:s20], [sflag:$0x2] =	stream.indirect_vreg.gather [hbm4b:s1+s3], $0x80, v4, vm0, $0xb8;
	[tilespmem:$0x8400] =	vst v63  }
0x51: {  	_ = 	snop  }
0x52: {  	[tilespmem:s21], [sflag:$0x2] =	stream.indirect_vreg.gather [hbm4b:s1+s3], $0x80, v3, vm0, $0xb8;
	[tilespmem:$0x8400] =	vst v63  }
0x53: {  	v3 =	vld [tilespmem:s2+$0x20];
	_ =	sdelay $0x4  }
0x54: {  	v58 =	vshll.u32 v3, $0x1  }
0x55: {  	v3 =	vand.u32 $0x7, v3;
	v4 =	vand.u32 $0xFFFFFFF0, v58  }
0x56: {  	v3 =	vor.u32 v3, v4  }
0x57: {  	v4 =	vperm.xlane v3, v0;
	_ =	sdelay $0x1  }
0x58: {  	v3 =	vperm.xlane v3, v2;
	v4 =	vadd.s32 v1, v4;
	_ =	sdelay $0x1  }
0x59: {  	v3 =	vadd.s32 v1, v3;
	_ =	sdelay $0x2  }
0x5a: {  	[tilespmem:s22], [sflag:$0x2] =	stream.indirect_vreg.gather [hbm4b:s1+s3], $0x80, v4, vm0, $0xb8;
	[tilespmem:$0x8400] =	vst v63  }
0x5b: {  	_ = 	snop  }
0x5c: {  	[tilespmem:s23], [sflag:$0x2] =	stream.indirect_vreg.gather [hbm4b:s1+s3], $0x80, v3, vm0, $0xb8;
	[tilespmem:$0x8400] =	vst v63  }
0x5d: {  	v3 =	vld [tilespmem:s2+$0x30];
	_ =	sdelay $0x4  }
0x5e: {  	v59 =	vshll.u32 v3, $0x1  }
0x5f: {  	v3 =	vand.u32 $0x7, v3;
	v4 =	vand.u32 $0xFFFFFFF0, v59  }
0x60: {  	v3 =	vor.u32 v3, v4  }
0x61: {  	v4 =	vperm.xlane v3, v0;
	_ =	sdelay $0x1  }
0x62: {  	v3 =	vperm.xlane v3, v2;
	v4 =	vadd.s32 v1, v4;
	_ =	sdelay $0x1  }
0x63: {  	v3 =	vadd.s32 v1, v3;
	_ =	sdelay $0x2  }
0x64: {  	[tilespmem:s24], [sflag:$0x2] =	stream.indirect_vreg.gather [hbm4b:s1+s3], $0x80, v4, vm0, $0xb8;
	[tilespmem:$0x8400] =	vst v63  }
0x65: {  	s0 =	sshll.u32 s31, $0xF;
	s2 =	simm.s32 $0x1  }
0x66: {  	[tilespmem:s25], [sflag:$0x2] =	stream.indirect_vreg.gather [hbm4b:s1+s3], $0x80, v3, vm0, $0xb8;
	[tilespmem:$0x8400] =	vst v63  }
0x67: {  	s0 =	sadd.s32 s4, s0;
	_ =	swait.ge [sflag:s2], $0x4000  }
0x68: {  	s0 =	sshrl.u32 s0, $0x3;
	[sflag:s2] =	ssyncset.done $0x0  }
0x69: {  	s0 =	sadd.s32 s5, s0;
	[sflag:s2] =	ssyncadd.s32 $0xFFFFC000  }
0x6a: {  	[hbm4b:s0+s3] =	stream.linear.scatter [tilespmem:s10], [sflag:$0x3], $0x4000, $0x38;
	[tilespmem:$0x8400] =	vst v63  }
0x6b: {  	_ =	swait.ge [sflag:s9], $0x4000  }
0x6c: {  	s2 =	sshll.u32 s31, $0x8;
	[sflag:s9] =	ssyncset.done $0x0  }
0x6d: {  	s0 =	sand.u32 $0x3FFFFF00, s2;
	[sflag:s9] =	ssyncadd.s32 $0xFFFFC000  }
0x6e: {  	v3 =	vld [tilespmem:s0+$0x100];
	_ =	sdelay $0x4  }
0x6f: {  	v60 =	vshll.u32 v3, $0x1  }
0x70: {  	v3 =	vand.u32 $0x7, v3;
	v4 =	vand.u32 $0xFFFFFFF0, v60  }
0x71: {  	v3 =	vor.u32 v3, v4  }
0x72: {  	v4 =	vperm.xlane v3, v0;
	_ =	sdelay $0x1  }
0x73: {  	v3 =	vperm.xlane v3, v2;
	v4 =	vadd.s32 v1, v4;
	_ =	sdelay $0x1  }
0x74: {  	v3 =	vadd.s32 v1, v3;
	_ =	sdelay $0x2  }
0x75: {  	[tilespmem:s10], [sflag:$0x1] =	stream.indirect_vreg.gather [hbm4b:s1+s3], $0x80, v4, vm0, $0xb8;
	[tilespmem:$0x8400] =	vst v63  }
0x76: {  	_ = 	snop  }
0x77: {  	[tilespmem:s11], [sflag:$0x1] =	stream.indirect_vreg.gather [hbm4b:s1+s3], $0x80, v3, vm0, $0xb8;
	[tilespmem:$0x8400] =	vst v63  }
0x78: {  	v3 =	vld [tilespmem:s0+$0x110];
	_ =	sdelay $0x4  }
0x79: {  	v61 =	vshll.u32 v3, $0x1  }
0x7a: {  	v3 =	vand.u32 $0x7, v3;
	v4 =	vand.u32 $0xFFFFFFF0, v61  }
0x7b: {  	v3 =	vor.u32 v3, v4  }
0x7c: {  	v4 =	vperm.xlane v3, v0;
	_ =	sdelay $0x1  }
0x7d: {  	v3 =	vperm.xlane v3, v2;
	v4 =	vadd.s32 v1, v4;
	_ =	sdelay $0x1  }
0x7e: {  	v3 =	vadd.s32 v1, v3;
	_ =	sdelay $0x2  }
0x7f: {  	[tilespmem:s12], [sflag:$0x1] =	stream.indirect_vreg.gather [hbm4b:s1+s3], $0x80, v4, vm0, $0xb8;
	[tilespmem:$0x8400] =	vst v63  }
0x80: {  	_ = 	snop  }
0x81: {  	[tilespmem:s13], [sflag:$0x1] =	stream.indirect_vreg.gather [hbm4b:s1+s3], $0x80, v3, vm0, $0xb8;
	[tilespmem:$0x8400] =	vst v63  }
0x82: {  	v3 =	vld [tilespmem:s0+$0x120];
	_ =	sdelay $0x4  }
0x83: {  	v62 =	vshll.u32 v3, $0x1  }
0x84: {  	v3 =	vand.u32 $0x7, v3;
	v4 =	vand.u32 $0xFFFFFFF0, v62  }
0x85: {  	v3 =	vor.u32 v3, v4  }
0x86: {  	v4 =	vperm.xlane v3, v0;
	_ =	sdelay $0x1  }
0x87: {  	v3 =	vperm.xlane v3, v2;
	v4 =	vadd.s32 v1, v4;
	_ =	sdelay $0x1  }
0x88: {  	v3 =	vadd.s32 v1, v3;
	_ =	sdelay $0x2  }
0x89: {  	[tilespmem:s14], [sflag:$0x1] =	stream.indirect_vreg.gather [hbm4b:s1+s3], $0x80, v4, vm0, $0xb8;
	[tilespmem:$0x8400] =	vst v63  }
0x8a: {  	_ = 	snop  }
0x8b: {  	[tilespmem:s15], [sflag:$0x1] =	stream.indirect_vreg.gather [hbm4b:s1+s3], $0x80, v3, vm0, $0xb8;
	[tilespmem:$0x8400] =	vst v63  }
0x8c: {  	v3 =	vld [tilespmem:s0+$0x130];
	_ =	sdelay $0x4  }
0x8d: {  	v63 =	vshll.u32 v3, $0x1  }
0x8e: {  	v3 =	vand.u32 $0x7, v3;
	v4 =	vand.u32 $0xFFFFFFF0, v63  }
0x8f: {  	v3 =	vor.u32 v3, v4  }
0x90: {  	v4 =	vperm.xlane v3, v0;
	_ =	sdelay $0x1  }
0x91: {  	v3 =	vperm.xlane v3, v2;
	v4 =	vadd.s32 v1, v4;
	_ =	sdelay $0x1  }
0x92: {  	v3 =	vadd.s32 v1, v3;
	_ =	sdelay $0x2  }
0x93: {  	[tilespmem:s16], [sflag:$0x1] =	stream.indirect_vreg.gather [hbm4b:s1+s3], $0x80, v4, vm0, $0xb8;
	[tilespmem:$0x8400] =	vst v63  }
0x94: {  	s30 =	sshll.u32 s30, $0xE  }
0x95: {  	[tilespmem:s17], [sflag:$0x1] =	stream.indirect_vreg.gather [hbm4b:s1+s3], $0x80, v3, vm0, $0xb8;
	[tilespmem:$0x8400] =	vst v63  }
0x96: {  	s0 =	sadd.s32 s4, s30;
	_ =	swait.ge [sflag:s26], $0x4000  }
0x97: {  	p1 =	por p0, p0;
	s0 =	sshrl.u32 s0, $0x3;
	[sflag:s26] =	ssyncset.done $0x0  }
.Ltmp0:
0x98: {  	s0 =	sadd.s32 s5, s0;
	[sflag:s26] =	ssyncadd.s32 $0xFFFFC000;
	(pc) =	sbr.rel @p1 .LBB2_2-.Ltmp0, $4  }
0x99: {  	[hbm4b:s0+s3] =	stream.linear.scatter [tilespmem:s18], [sflag:$0x3], $0x4000, $0x38;
	[tilespmem:$0x8400] =	vst v63  }
0x9a: {  	_ =	swait.ge [sflag:s9], $0x4000  }
0x9b: {  	[sflag:s9] =	ssyncset.done $0x0  }
0x9c: {  	p0 =	por $0x0, $0x0;
	s31 =	simm.s32 $0x1;
	[sflag:s9] =	ssyncadd.s32 $0xFFFFC000  }
0x9d: {  	_ =	swait.ge [sflag:s28], $0x4000;
	s29 =	sadd.s32 $0x1, s29  }
0x9e: {  	[sflag:s28] =	ssyncset.done $0x0;
	p0 =	sne.s32 s29, s8  }
.Ltmp1:
0x9f: {  	[sflag:s28] =	ssyncadd.s32 $0xFFFFC000;
	(pc) =	sbr.rel @p0 .LBB2_1-.Ltmp1, $4  }
0xa0: {  	[hbm4b:s7+s3] =	stream.linear.scatter [tilespmem:s10], [sflag:$0x3], $0x4000, $0x38;
	[tilespmem:$0x8400] =	vst v63  }
0xa1: {  	_ =	swait.ge [sflag:s9], $0x4000  }
0xa2: {  	[sflag:s9] =	ssyncset.done $0x0  }
0xa3: {  	[sflag:s9] =	ssyncadd.s32 $0xFFFFC000  }
0xa4: {  	_ =	sfence.sel $0x180000  }
0xa5: {  	[bflag:$0x0] =	sbarrier.arrive $0xFFFF  }
0xa6: {  	_ =	strace $0x90000047  }
0xa7: {  	s0 =	stileid.u32;
	[bflag:$0x2] =	sbarrier.arrive $0xFFFF  }
0xa8: {  	p0 =	sne.s32 s0, $0x0;
	s0 =	rddreg [dreg:$0x3]  }
0xa9: {  	s0 =	sadd.s32 @!p0 $0x100000, s0  }
0xaa: {  	[sflag:s0] =	ssyncadd.tile.s32 @!p0 $0x1;
	_ =	shalt  }
.Lfunc_end2:
_tile_overlayer_lowered:
.L_overlay_start_2:
0xab: {  	(tag) =	ssettag $0x2  }
0xac: {  	s0 =	rddreg [dreg:$0x0];
	s2 =	stileid.u32  }
0xad: {  	s1 =	rddreg [dreg:$0x1];
	p0 =	sne.s32 s2, $0x0  }
0xae: {  	s3 =	rddreg [dreg:$0x2];
	[bflag:$0x3] =	sbarrier.arrive $0xFFFF;
	s2 =	simm.s32 @!p0 $0x1C03  }
0xaf: {  	[timem:s3], [sflag:s2] =	dma.local @!p0 [hbm:s0], s1  }
0xb0: {  	s0 =	simm.s32 @!p0 $0x3  }
0xb1: {  	_ =	swait.ge @!p0 [sflag:s0], s1  }
0xb2: {  	s1 =	ssub.s32 @!p0 $0x0, s1;
	[sflag:s0] =	ssyncset.done @!p0 $0x0  }
0xb3: {  	[sflag:s0] =	ssyncadd.s32 @!p0 s1  }
0xb4: {  	[bflag:$0x3] =	sbarrier.arrive $0xFFFF  }
0xb5: {  	_ =	shalt  }

</sc_bundles>
